<compile_context>
chip_gen: v7x
topology: tpu7x:2x2x1
jax: 0.10.2.dev20260603
libtpu: 0.0.44.dev20260713+nightly
codegen_flags: <defaults>
</compile_context>

<pallas_src>
import functools

import jax
import jax.numpy as jnp
from jax import lax
from jax.experimental import pallas as pl
from jax.experimental.pallas import tpu as pltpu
from jax.experimental.pallas import tpu_sc as plsc

H = 128
T = 200
CHUNK = 8
L = 16
NC, NS = 2, 16
NW = NC * NS
GCHUNKS = ((0, 0, 128), (1, 128, 72))
TPAD = 256
HV = H // L


def _pool_body(ids_hbm, table_hbm, out_hbm, idx_v, rows_v, acc_v, sem0, sem1, sem2):
    rpb = TPAD // 128
    bpw = ids_hbm.shape[0] // rpb // NW
    wid = lax.axis_index("s") * NC + lax.axis_index("c")
    base = wid * bpw

    pltpu.sync_copy(ids_hbm.at[pl.ds(base * rpb, bpw * rpb)], idx_v)

    def fire(b, buf, sem):
        for row, off, ln in GCHUNKS:
            pltpu.async_copy(
                table_hbm.at[idx_v.at[b * rpb + row, pl.ds(0, ln)]],
                rows_v.at[buf, pl.ds(off, ln)],
                sem,
            )

    def drain(buf, sem):
        for _, off, ln in GCHUNKS:
            pltpu.make_async_copy(
                table_hbm.at[pl.ds(0, ln)],
                rows_v.at[buf, pl.ds(off, ln)],
                sem,
            ).wait()

    def accum(b, buf):
        def body(t, accs):
            return tuple(
                accs[h] + rows_v[buf, t, pl.ds(h * L, L)] for h in range(HV)
            )
        accs = tuple(jnp.zeros((L,), jnp.float32) for _ in range(HV))
        accs = plsc.parallel_loop(0, T, 1, unroll=4, carry=accs)(body)
        for h in range(HV):
            acc_v[b, pl.ds(h * L, L)] = accs[h] * (1.0 / T)

    fire(0, 0, sem0)
    fire(1, 1, sem1)

    def step(i, _):
        b0 = 3 * i
        fire(b0 + 2, 2, sem2)
        drain(0, sem0)
        accum(b0, 0)
        fire(b0 + 3, 0, sem0)
        drain(1, sem1)
        accum(b0 + 1, 1)
        fire(b0 + 4, 1, sem1)
        drain(2, sem2)
        accum(b0 + 2, 2)
        return 0

    lax.fori_loop(0, (bpw - 2) // 3, step, 0)
    drain(0, sem0)
    accum(bpw - 2, 0)
    drain(1, sem1)
    accum(bpw - 1, 1)

    pltpu.sync_copy(acc_v, out_hbm.at[pl.ds(base, bpw)])


def _pooled(ids_sc, emb_table):
    batch = ids_sc.shape[0] * 128 // TPAD
    bpw = batch // NW
    mesh = plsc.VectorSubcoreMesh(
        core_axis_name="c", subcore_axis_name="s", num_cores=NC, num_subcores=NS
    )
    f = functools.partial(
        pl.kernel,
        mesh=mesh,
        compiler_params=pltpu.CompilerParams(use_tc_tiling_on_sc=False),
        out_type=jax.ShapeDtypeStruct((batch, H), jnp.float32),
        scratch_types=[
            pltpu.VMEM((bpw * TPAD // 128, 128), jnp.int32),
            pltpu.VMEM((3, T, H), jnp.float32),
            pltpu.VMEM((bpw, H), jnp.float32),
            pltpu.SemaphoreType.DMA,
            pltpu.SemaphoreType.DMA,
            pltpu.SemaphoreType.DMA,
        ],
    )(_pool_body)
    return f(ids_sc, emb_table)


def _proj_body(x_ref, wt_ref, b_ref, o_ref):
    x = x_ref[...]
    for c in range(CHUNK):
        o_ref[:, c, :] = (
            jnp.dot(x, wt_ref[:, c, :], preferred_element_type=jnp.float32)
            + b_ref[c, :]
        )


def _proj(pooled, wt, bias):
    bm = 512
    batch = pooled.shape[0]
    return pl.pallas_call(
        _proj_body,
        grid=(batch // bm,),
        in_specs=[
            pl.BlockSpec((bm, H), lambda i: (i, 0)),
            pl.BlockSpec((H, CHUNK, H), lambda i: (0, 0, 0)),
            pl.BlockSpec((CHUNK, H), lambda i: (0, 0)),
        ],
        out_specs=pl.BlockSpec((bm, CHUNK, H), lambda i: (i, 0, 0)),
        out_shape=jax.ShapeDtypeStruct((batch, CHUNK, H), jnp.float32),
    )(pooled, wt, bias)


def kernel(thought_ids, emb_table, W, b):
    batch = thought_ids.shape[0]
    wt = W.T.reshape(H, CHUNK, H)
    bias = b.reshape(CHUNK, H)
    ids_sc = jnp.pad(thought_ids, ((0, 0), (0, TPAD - T))).reshape(-1, 128)
    pooled = _pooled(ids_sc, emb_table)
    return _proj(pooled, wt, bias)

# --- scband reference (transcript-rebuilt; emitter-appended) ---
"""Pipeline reference for scband-compression-block-15539191676966 (READ-ONLY COPY).

The authoritative reference and input builder live on the scoring server;
editing this copy changes nothing except your own understanding.
"""

import jax, jax.numpy as jnp
import numpy as np

VOCAB = 1000000
HIDDEN = 128
CHUNK = 8
BATCH = 4096
TLEN = 200

def setup_inputs(seed: int = 0) -> dict:
    key = jax.random.key(seed)
    k1, k2, k3, k4 = jax.random.split(key, 4)
    thought_ids = jax.random.randint(k1, (BATCH, TLEN), 0, VOCAB, dtype=jnp.int64 if jax.config.jax_enable_x64 else jnp.int32)
    emb_table = jax.random.normal(k2, (VOCAB, HIDDEN), dtype=jnp.float32)
    # torch nn.Linear: weight [out_features, in_features], bias [out_features]
    bound = 1.0 / np.sqrt(HIDDEN)
    W = jax.random.uniform(k3, (HIDDEN * CHUNK, HIDDEN), dtype=jnp.float32, minval=-bound, maxval=bound)
    b = jax.random.uniform(k4, (HIDDEN * CHUNK,), dtype=jnp.float32, minval=-bound, maxval=bound)
    return {"thought_ids": thought_ids, "emb_table": emb_table, "W": W, "b": b}

def reference(thought_ids, emb_table, W, b):
    # embedding lookup (gather)
    embedded = jnp.take(emb_table, thought_ids, axis=0)  # (B, T, H)
    # mean pool over thought_len
    pooled = embedded.mean(axis=1)  # (B, H)
    # linear: x @ W.T + b
    state = pooled @ W.T + b  # (B, H*CHUNK)
    state = state.reshape(-1, CHUNK, HIDDEN)  # (B, CHUNK, H)
    return state

if __name__ == "__main__":
    import jax
    _d = setup_inputs()
    print(jax.jit(kernel)(*tuple(_d.values())))

</pallas_src>

<mosaic_0001>
#map = affine_map<(d0, d1) -> (0, 0)>
module attributes {stable_mosaic.version = 14 : i64} {
  func.func @_pool_body(%arg0: i32, %arg1: i32, %arg2: memref<8192x128xi32, #tpu.memory_space<hbm>>, %arg3: memref<1000000x128xf32, #tpu.memory_space<hbm>>, %arg4: memref<4096x128xf32, #tpu.memory_space<hbm>>, %arg5: memref<256x128xi32, #tpu.memory_space<vmem>>, %arg6: memref<3x200x128xf32, #tpu.memory_space<vmem>>, %arg7: memref<128x128xf32, #tpu.memory_space<vmem>>, %arg8: memref<!tpu.dma_semaphore, #tpu.memory_space<semaphore_mem>>, %arg9: memref<!tpu.dma_semaphore, #tpu.memory_space<semaphore_mem>>, %arg10: memref<!tpu.dma_semaphore, #tpu.memory_space<semaphore_mem>>) attributes {dimension_semantics = [#tpu.dimension_semantics<core_parallel>, #tpu.dimension_semantics<subcore_parallel>], iteration_bounds = array<i64: 2, 16>, scalar_prefetch = 0 : i64, scratch_operands = 6 : i64, tpu.core_type = #tpu.core_type<sc_vector_subcore>, window_params = [{transform_indices = #map}, {transform_indices = #map}, {transform_indices = #map}]} {
    %mul3A = arith.constant 2 : i32
    %mul3A_0 = arith.muli %arg1, %mul3A : i32
    %add3A = arith.addi %mul3A_0, %arg0 : i32
    %mul3A_1 = arith.constant 128 : i32
    %mul3A_2 = arith.muli %add3A, %mul3A_1 : i32
    %mul3A_3 = arith.constant 2 : i32
    %mul3A_4 = arith.muli %mul3A_2, %mul3A_3 : i32
    "tpu.region"() ({
      %run_scoped3A = tpu.sem_alloc : memref<!tpu.dma_semaphore, #tpu.memory_space<semaphore_mem>>
      %dma_start3A_298 = arith.constant 0 : i32
      %dma_start3A_299 = tpu.memref_slice %arg2[%mul3A_4, %dma_start3A_298] : memref<8192x128xi32, #tpu.memory_space<hbm>> -> memref<256x128xi32, #tpu.memory_space<hbm>>
      %dma_start3A_300 = arith.constant 0 : i32
      %dma_start3A_301 = tpu.memref_slice %arg2[%mul3A_4, %dma_start3A_300] : memref<8192x128xi32, #tpu.memory_space<hbm>> -> memref<256x128xi32, #tpu.memory_space<hbm>>
      tpu.enqueue_dma source(%dma_start3A_301 : memref<256x128xi32, #tpu.memory_space<hbm>>) target(%arg5 : memref<256x128xi32, #tpu.memory_space<vmem>>) target_semaphore(%run_scoped3A : memref<!tpu.dma_semaphore, #tpu.memory_space<semaphore_mem>>)
      %dma_wait3A_302 = arith.constant 0 : i32
      %dma_wait3A_303 = tpu.memref_slice %arg2[%mul3A_4, %dma_wait3A_302] : memref<8192x128xi32, #tpu.memory_space<hbm>> -> memref<256x128xi32, #tpu.memory_space<hbm>>
      %dma_wait3A_304 = arith.constant 0 : i32
      %dma_wait3A_305 = tpu.memref_slice %arg2[%mul3A_4, %dma_wait3A_304] : memref<8192x128xi32, #tpu.memory_space<hbm>> -> memref<256x128xi32, #tpu.memory_space<hbm>>
      tpu.wait_dma2 semaphore(%run_scoped3A : memref<!tpu.dma_semaphore, #tpu.memory_space<semaphore_mem>>) src(%dma_wait3A_305 : memref<256x128xi32, #tpu.memory_space<hbm>>) dst(%arg5 : memref<256x128xi32, #tpu.memory_space<vmem>>)
      tpu.yield
    }) : () -> ()
    %dma_start3A = arith.constant 0 : i32
    %dma_start3A_5 = arith.constant 0 : i32
    %dma_start3A_6 = arith.constant 0 : i32
    %dma_start3A_7 = arith.constant 0 : i32
    %dma_start3A_8 = tpu.memref_slice %arg6[%dma_start3A_5, %dma_start3A_6, %dma_start3A_7] : memref<3x200x128xf32, #tpu.memory_space<vmem>> -> memref<1x128x128xf32, #tpu.memory_space<vmem>>
    %dma_start3A_9 = tpu.memref_squeeze %dma_start3A_8 : memref<1x128x128xf32, #tpu.memory_space<vmem>> -> memref<128x128xf32, #tpu.memory_space<vmem>>
    %dma_start3A_10 = arith.constant 0 : i32
    %dma_start3A_11 = tpu.memref_slice %arg5[%dma_start3A, %dma_start3A_10] : memref<256x128xi32, #tpu.memory_space<vmem>> -> memref<1x128xi32, #tpu.memory_space<vmem>>
    %dma_start3A_12 = tpu.memref_squeeze %dma_start3A_11 : memref<1x128xi32, #tpu.memory_space<vmem>> -> memref<128xi32, #tpu.memory_space<vmem>>
    %dma_start3A_13 = arith.constant 0 : i32
    %dma_start3A_14 = arith.constant 0 : i32
    %dma_start3A_15 = tpu.memref_slice %arg3[%dma_start3A_13, %dma_start3A_14] : memref<1000000x128xf32, #tpu.memory_space<hbm>> -> memref<1000000x128xf32, #tpu.memory_space<hbm>>
    tpu.enqueue_indirect_dma source(%dma_start3A_15 : memref<1000000x128xf32, #tpu.memory_space<hbm>>) target(%dma_start3A_9 : memref<128x128xf32, #tpu.memory_space<vmem>>) offsets(%dma_start3A_12 : memref<128xi32, #tpu.memory_space<vmem>>) semaphore(%arg8 : memref<!tpu.dma_semaphore, #tpu.memory_space<semaphore_mem>>)
    %dma_start3A_16 = arith.constant 1 : i32
    %dma_start3A_17 = arith.constant 0 : i32
    %dma_start3A_18 = arith.constant 128 : i32
    %dma_start3A_19 = arith.constant 0 : i32
    %dma_start3A_20 = tpu.memref_slice %arg6[%dma_start3A_17, %dma_start3A_18, %dma_start3A_19] : memref<3x200x128xf32, #tpu.memory_space<vmem>> -> memref<1x72x128xf32, #tpu.memory_space<vmem>>
    %dma_start3A_21 = tpu.memref_squeeze %dma_start3A_20 : memref<1x72x128xf32, #tpu.memory_space<vmem>> -> memref<72x128xf32, #tpu.memory_space<vmem>>
    %dma_start3A_22 = arith.constant 0 : i32
    %dma_start3A_23 = tpu.memref_slice %arg5[%dma_start3A_16, %dma_start3A_22] : memref<256x128xi32, #tpu.memory_space<vmem>> -> memref<1x72xi32, #tpu.memory_space<vmem>>
    %dma_start3A_24 = tpu.memref_squeeze %dma_start3A_23 : memref<1x72xi32, #tpu.memory_space<vmem>> -> memref<72xi32, #tpu.memory_space<vmem>>
    %dma_start3A_25 = arith.constant 0 : i32
    %dma_start3A_26 = arith.constant 0 : i32
    %dma_start3A_27 = tpu.memref_slice %arg3[%dma_start3A_25, %dma_start3A_26] : memref<1000000x128xf32, #tpu.memory_space<hbm>> -> memref<1000000x128xf32, #tpu.memory_space<hbm>>
    tpu.enqueue_indirect_dma source(%dma_start3A_27 : memref<1000000x128xf32, #tpu.memory_space<hbm>>) target(%dma_start3A_21 : memref<72x128xf32, #tpu.memory_space<vmem>>) offsets(%dma_start3A_24 : memref<72xi32, #tpu.memory_space<vmem>>) semaphore(%arg8 : memref<!tpu.dma_semaphore, #tpu.memory_space<semaphore_mem>>)
    %dma_start3A_28 = arith.constant 2 : i32
    %dma_start3A_29 = arith.constant 1 : i32
    %dma_start3A_30 = arith.constant 0 : i32
    %dma_start3A_31 = arith.constant 0 : i32
    %dma_start3A_32 = tpu.memref_slice %arg6[%dma_start3A_29, %dma_start3A_30, %dma_start3A_31] : memref<3x200x128xf32, #tpu.memory_space<vmem>> -> memref<1x128x128xf32, #tpu.memory_space<vmem>>
    %dma_start3A_33 = tpu.memref_squeeze %dma_start3A_32 : memref<1x128x128xf32, #tpu.memory_space<vmem>> -> memref<128x128xf32, #tpu.memory_space<vmem>>
    %dma_start3A_34 = arith.constant 0 : i32
    %dma_start3A_35 = tpu.memref_slice %arg5[%dma_start3A_28, %dma_start3A_34] : memref<256x128xi32, #tpu.memory_space<vmem>> -> memref<1x128xi32, #tpu.memory_space<vmem>>
    %dma_start3A_36 = tpu.memref_squeeze %dma_start3A_35 : memref<1x128xi32, #tpu.memory_space<vmem>> -> memref<128xi32, #tpu.memory_space<vmem>>
    %dma_start3A_37 = arith.constant 0 : i32
    %dma_start3A_38 = arith.constant 0 : i32
    %dma_start3A_39 = tpu.memref_slice %arg3[%dma_start3A_37, %dma_start3A_38] : memref<1000000x128xf32, #tpu.memory_space<hbm>> -> memref<1000000x128xf32, #tpu.memory_space<hbm>>
    tpu.enqueue_indirect_dma source(%dma_start3A_39 : memref<1000000x128xf32, #tpu.memory_space<hbm>>) target(%dma_start3A_33 : memref<128x128xf32, #tpu.memory_space<vmem>>) offsets(%dma_start3A_36 : memref<128xi32, #tpu.memory_space<vmem>>) semaphore(%arg9 : memref<!tpu.dma_semaphore, #tpu.memory_space<semaphore_mem>>)
    %dma_start3A_40 = arith.constant 3 : i32
    %dma_start3A_41 = arith.constant 1 : i32
    %dma_start3A_42 = arith.constant 128 : i32
    %dma_start3A_43 = arith.constant 0 : i32
    %dma_start3A_44 = tpu.memref_slice %arg6[%dma_start3A_41, %dma_start3A_42, %dma_start3A_43] : memref<3x200x128xf32, #tpu.memory_space<vmem>> -> memref<1x72x128xf32, #tpu.memory_space<vmem>>
    %dma_start3A_45 = tpu.memref_squeeze %dma_start3A_44 : memref<1x72x128xf32, #tpu.memory_space<vmem>> -> memref<72x128xf32, #tpu.memory_space<vmem>>
    %dma_start3A_46 = arith.constant 0 : i32
    %dma_start3A_47 = tpu.memref_slice %arg5[%dma_start3A_40, %dma_start3A_46] : memref<256x128xi32, #tpu.memory_space<vmem>> -> memref<1x72xi32, #tpu.memory_space<vmem>>
    %dma_start3A_48 = tpu.memref_squeeze %dma_start3A_47 : memref<1x72xi32, #tpu.memory_space<vmem>> -> memref<72xi32, #tpu.memory_space<vmem>>
    %dma_start3A_49 = arith.constant 0 : i32
    %dma_start3A_50 = arith.constant 0 : i32
    %dma_start3A_51 = tpu.memref_slice %arg3[%dma_start3A_49, %dma_start3A_50] : memref<1000000x128xf32, #tpu.memory_space<hbm>> -> memref<1000000x128xf32, #tpu.memory_space<hbm>>
    tpu.enqueue_indirect_dma source(%dma_start3A_51 : memref<1000000x128xf32, #tpu.memory_space<hbm>>) target(%dma_start3A_45 : memref<72x128xf32, #tpu.memory_space<vmem>>) offsets(%dma_start3A_48 : memref<72xi32, #tpu.memory_space<vmem>>) semaphore(%arg9 : memref<!tpu.dma_semaphore, #tpu.memory_space<semaphore_mem>>)
    %scan3A = arith.constant 0 : i32
    %scan3A_52 = arith.constant 0 : i32
    %scan3A_53 = arith.constant 42 : i32
    %scan3A_54 = arith.addi %scan3A_52, %scan3A_53 : i32
    %scan3A_55 = arith.constant 1 : i32
    %scan3A_56 = scf.for %scan3A_298 = %scan3A_52 to %scan3A_54 step %scan3A_55 iter_args(%scan3A_299 = %scan3A) -> (i32)  : i32 {
      %mul3A_300 = arith.constant 3 : i32
      %mul3A_301 = arith.muli %mul3A_300, %scan3A_298 : i32
      %add3A_302 = arith.constant 2 : i32
      %add3A_303 = arith.addi %mul3A_301, %add3A_302 : i32
      %mul3A_304 = arith.constant 2 : i32
      %mul3A_305 = arith.muli %add3A_303, %mul3A_304 : i32
      %add3A_306 = arith.constant 0 : i32
      %add3A_307 = arith.addi %mul3A_305, %add3A_306 : i32
      %dma_start3A_308 = arith.constant 2 : i32
      %dma_start3A_309 = arith.constant 0 : i32
      %dma_start3A_310 = arith.constant 0 : i32
      %dma_start3A_311 = tpu.memref_slice %arg6[%dma_start3A_308, %dma_start3A_309, %dma_start3A_310] : memref<3x200x128xf32, #tpu.memory_space<vmem>> -> memref<1x128x128xf32, #tpu.memory_space<vmem>>
      %dma_start3A_312 = tpu.memref_squeeze %dma_start3A_311 : memref<1x128x128xf32, #tpu.memory_space<vmem>> -> memref<128x128xf32, #tpu.memory_space<vmem>>
      %dma_start3A_313 = arith.constant 0 : i32
      %dma_start3A_314 = tpu.memref_slice %arg5[%add3A_307, %dma_start3A_313] : memref<256x128xi32, #tpu.memory_space<vmem>> -> memref<1x128xi32, #tpu.memory_space<vmem>>
      %dma_start3A_315 = tpu.memref_squeeze %dma_start3A_314 : memref<1x128xi32, #tpu.memory_space<vmem>> -> memref<128xi32, #tpu.memory_space<vmem>>
      %dma_start3A_316 = arith.constant 0 : i32
      %dma_start3A_317 = arith.constant 0 : i32
      %dma_start3A_318 = tpu.memref_slice %arg3[%dma_start3A_316, %dma_start3A_317] : memref<1000000x128xf32, #tpu.memory_space<hbm>> -> memref<1000000x128xf32, #tpu.memory_space<hbm>>
      tpu.enqueue_indirect_dma source(%dma_start3A_318 : memref<1000000x128xf32, #tpu.memory_space<hbm>>) target(%dma_start3A_312 : memref<128x128xf32, #tpu.memory_space<vmem>>) offsets(%dma_start3A_315 : memref<128xi32, #tpu.memory_space<vmem>>) semaphore(%arg10 : memref<!tpu.dma_semaphore, #tpu.memory_space<semaphore_mem>>)
      %mul3A_319 = arith.constant 2 : i32
      %mul3A_320 = arith.muli %add3A_303, %mul3A_319 : i32
      %add3A_321 = arith.constant 1 : i32
      %add3A_322 = arith.addi %mul3A_320, %add3A_321 : i32
      %dma_start3A_323 = arith.constant 2 : i32
      %dma_start3A_324 = arith.constant 128 : i32
      %dma_start3A_325 = arith.constant 0 : i32
      %dma_start3A_326 = tpu.memref_slice %arg6[%dma_start3A_323, %dma_start3A_324, %dma_start3A_325] : memref<3x200x128xf32, #tpu.memory_space<vmem>> -> memref<1x72x128xf32, #tpu.memory_space<vmem>>
      %dma_start3A_327 = tpu.memref_squeeze %dma_start3A_326 : memref<1x72x128xf32, #tpu.memory_space<vmem>> -> memref<72x128xf32, #tpu.memory_space<vmem>>
      %dma_start3A_328 = arith.constant 0 : i32
      %dma_start3A_329 = tpu.memref_slice %arg5[%add3A_322, %dma_start3A_328] : memref<256x128xi32, #tpu.memory_space<vmem>> -> memref<1x72xi32, #tpu.memory_space<vmem>>
      %dma_start3A_330 = tpu.memref_squeeze %dma_start3A_329 : memref<1x72xi32, #tpu.memory_space<vmem>> -> memref<72xi32, #tpu.memory_space<vmem>>
      %dma_start3A_331 = arith.constant 0 : i32
      %dma_start3A_332 = arith.constant 0 : i32
      %dma_start3A_333 = tpu.memref_slice %arg3[%dma_start3A_331, %dma_start3A_332] : memref<1000000x128xf32, #tpu.memory_space<hbm>> -> memref<1000000x128xf32, #tpu.memory_space<hbm>>
      tpu.enqueue_indirect_dma source(%dma_start3A_333 : memref<1000000x128xf32, #tpu.memory_space<hbm>>) target(%dma_start3A_327 : memref<72x128xf32, #tpu.memory_space<vmem>>) offsets(%dma_start3A_330 : memref<72xi32, #tpu.memory_space<vmem>>) semaphore(%arg10 : memref<!tpu.dma_semaphore, #tpu.memory_space<semaphore_mem>>)
      %dma_wait3A_334 = arith.constant 0 : i32
      %dma_wait3A_335 = arith.constant 0 : i32
      %dma_wait3A_336 = arith.constant 0 : i32
      %dma_wait3A_337 = tpu.memref_slice %arg6[%dma_wait3A_334, %dma_wait3A_335, %dma_wait3A_336] : memref<3x200x128xf32, #tpu.memory_space<vmem>> -> memref<1x128x128xf32, #tpu.memory_space<vmem>>
      %dma_wait3A_338 = tpu.memref_squeeze %dma_wait3A_337 : memref<1x128x128xf32, #tpu.memory_space<vmem>> -> memref<128x128xf32, #tpu.memory_space<vmem>>
      %dma_wait3A_339 = arith.constant 0 : i32
      %dma_wait3A_340 = arith.constant 0 : i32
      %dma_wait3A_341 = tpu.memref_slice %arg3[%dma_wait3A_339, %dma_wait3A_340] : memref<1000000x128xf32, #tpu.memory_space<hbm>> -> memref<128x128xf32, #tpu.memory_space<hbm>>
      %dma_wait3A_342 = arith.constant 0 : i32
      %dma_wait3A_343 = arith.constant 0 : i32
      %dma_wait3A_344 = tpu.memref_slice %arg6[%dma_wait3A_334, %dma_wait3A_342, %dma_wait3A_343] : memref<3x200x128xf32, #tpu.memory_space<vmem>> -> memref<1x128x128xf32, #tpu.memory_space<vmem>>
      %dma_wait3A_345 = tpu.memref_squeeze %dma_wait3A_344 : memref<1x128x128xf32, #tpu.memory_space<vmem>> -> memref<128x128xf32, #tpu.memory_space<vmem>>
      %dma_wait3A_346 = arith.constant 0 : i32
      %dma_wait3A_347 = arith.constant 0 : i32
      %dma_wait3A_348 = tpu.memref_slice %arg3[%dma_wait3A_346, %dma_wait3A_347] : memref<1000000x128xf32, #tpu.memory_space<hbm>> -> memref<128x128xf32, #tpu.memory_space<hbm>>
      tpu.wait_dma2 semaphore(%arg8 : memref<!tpu.dma_semaphore, #tpu.memory_space<semaphore_mem>>) src(%dma_wait3A_348 : memref<128x128xf32, #tpu.memory_space<hbm>>) dst(%dma_wait3A_345 : memref<128x128xf32, #tpu.memory_space<vmem>>)
      %dma_wait3A_349 = arith.constant 0 : i32
      %dma_wait3A_350 = arith.constant 128 : i32
      %dma_wait3A_351 = arith.constant 0 : i32
      %dma_wait3A_352 = tpu.memref_slice %arg6[%dma_wait3A_349, %dma_wait3A_350, %dma_wait3A_351] : memref<3x200x128xf32, #tpu.memory_space<vmem>> -> memref<1x72x128xf32, #tpu.memory_space<vmem>>
      %dma_wait3A_353 = tpu.memref_squeeze %dma_wait3A_352 : memref<1x72x128xf32, #tpu.memory_space<vmem>> -> memref<72x128xf32, #tpu.memory_space<vmem>>
      %dma_wait3A_354 = arith.constant 0 : i32
      %dma_wait3A_355 = arith.constant 0 : i32
      %dma_wait3A_356 = tpu.memref_slice %arg3[%dma_wait3A_354, %dma_wait3A_355] : memref<1000000x128xf32, #tpu.memory_space<hbm>> -> memref<72x128xf32, #tpu.memory_space<hbm>>
      %dma_wait3A_357 = arith.constant 128 : i32
      %dma_wait3A_358 = arith.constant 0 : i32
      %dma_wait3A_359 = tpu.memref_slice %arg6[%dma_wait3A_349, %dma_wait3A_357, %dma_wait3A_358] : memref<3x200x128xf32, #tpu.memory_space<vmem>> -> memref<1x72x128xf32, #tpu.memory_space<vmem>>
      %dma_wait3A_360 = tpu.memref_squeeze %dma_wait3A_359 : memref<1x72x128xf32, #tpu.memory_space<vmem>> -> memref<72x128xf32, #tpu.memory_space<vmem>>
      %dma_wait3A_361 = arith.constant 0 : i32
      %dma_wait3A_362 = arith.constant 0 : i32
      %dma_wait3A_363 = tpu.memref_slice %arg3[%dma_wait3A_361, %dma_wait3A_362] : memref<1000000x128xf32, #tpu.memory_space<hbm>> -> memref<72x128xf32, #tpu.memory_space<hbm>>
      tpu.wait_dma2 semaphore(%arg8 : memref<!tpu.dma_semaphore, #tpu.memory_space<semaphore_mem>>) src(%dma_wait3A_363 : memref<72x128xf32, #tpu.memory_space<hbm>>) dst(%dma_wait3A_360 : memref<72x128xf32, #tpu.memory_space<vmem>>)
      %broadcast_in_dim3A_364 = arith.constant 0.000000e+00 : f32
      %broadcast_in_dim3A_365 = vector.broadcast %broadcast_in_dim3A_364 : f32 to vector<16xf32>
      %broadcast_in_dim3A_366 = arith.constant 0.000000e+00 : f32
      %broadcast_in_dim3A_367 = vector.broadcast %broadcast_in_dim3A_366 : f32 to vector<16xf32>
      %broadcast_in_dim3A_368 = arith.constant 0.000000e+00 : f32
      %broadcast_in_dim3A_369 = vector.broadcast %broadcast_in_dim3A_368 : f32 to vector<16xf32>
      %broadcast_in_dim3A_370 = arith.constant 0.000000e+00 : f32
      %broadcast_in_dim3A_371 = vector.broadcast %broadcast_in_dim3A_370 : f32 to vector<16xf32>
      %broadcast_in_dim3A_372 = arith.constant 0.000000e+00 : f32
      %broadcast_in_dim3A_373 = vector.broadcast %broadcast_in_dim3A_372 : f32 to vector<16xf32>
      %broadcast_in_dim3A_374 = arith.constant 0.000000e+00 : f32
      %broadcast_in_dim3A_375 = vector.broadcast %broadcast_in_dim3A_374 : f32 to vector<16xf32>
      %broadcast_in_dim3A_376 = arith.constant 0.000000e+00 : f32
      %broadcast_in_dim3A_377 = vector.broadcast %broadcast_in_dim3A_376 : f32 to vector<16xf32>
      %broadcast_in_dim3A_378 = arith.constant 0.000000e+00 : f32
      %broadcast_in_dim3A_379 = vector.broadcast %broadcast_in_dim3A_378 : f32 to vector<16xf32>
      %parallel_loop3A_380 = arith.constant 0 : i32
      %parallel_loop3A_381 = arith.constant 200 : i32
      %parallel_loop3A_382 = arith.constant 1 : i32
      %parallel_loop3A_383:8 = scf.for %parallel_loop3A_745 = %parallel_loop3A_380 to %parallel_loop3A_381 step %parallel_loop3A_382 iter_args(%parallel_loop3A_746 = %broadcast_in_dim3A_365, %parallel_loop3A_747 = %broadcast_in_dim3A_367, %parallel_loop3A_748 = %broadcast_in_dim3A_369, %parallel_loop3A_749 = %broadcast_in_dim3A_371, %parallel_loop3A_750 = %broadcast_in_dim3A_373, %parallel_loop3A_751 = %broadcast_in_dim3A_375, %parallel_loop3A_752 = %broadcast_in_dim3A_377, %parallel_loop3A_753 = %broadcast_in_dim3A_379) -> (vector<16xf32>, vector<16xf32>, vector<16xf32>, vector<16xf32>, vector<16xf32>, vector<16xf32>, vector<16xf32>, vector<16xf32>)  : i32 {
        %parallel_loop3A_754 = arith.constant 0 : i32
        %parallel_loop3A_755 = arith.index_cast %parallel_loop3A_754 : i32 to index
        %parallel_loop3A_756 = arith.index_cast %parallel_loop3A_745 : i32 to index
        %parallel_loop3A_757 = arith.constant 0 : index
        %parallel_loop3A_758 = tpu.vector_load %arg6[%parallel_loop3A_755, %parallel_loop3A_756, %parallel_loop3A_757] {strides = array<i32>} : memref<3x200x128xf32, #tpu.memory_space<vmem>>, vector<1x1x16xf32>,
        %parallel_loop3A_759 = vector.shape_cast %parallel_loop3A_758 : vector<1x1x16xf32> to vector<16xf32>
        %parallel_loop3A_760 = arith.addf %parallel_loop3A_746, %parallel_loop3A_759 : vector<16xf32>
        %parallel_loop3A_761 = arith.constant 0 : i32
        %parallel_loop3A_762 = arith.index_cast %parallel_loop3A_761 : i32 to index
        %parallel_loop3A_763 = arith.index_cast %parallel_loop3A_745 : i32 to index
        %parallel_loop3A_764 = arith.constant 16 : index
        %parallel_loop3A_765 = tpu.vector_load %arg6[%parallel_loop3A_762, %parallel_loop3A_763, %parallel_loop3A_764] {strides = array<i32>} : memref<3x200x128xf32, #tpu.memory_space<vmem>>, vector<1x1x16xf32>,
        %parallel_loop3A_766 = vector.shape_cast %parallel_loop3A_765 : vector<1x1x16xf32> to vector<16xf32>
        %parallel_loop3A_767 = arith.addf %parallel_loop3A_747, %parallel_loop3A_766 : vector<16xf32>
        %parallel_loop3A_768 = arith.constant 0 : i32
        %parallel_loop3A_769 = arith.index_cast %parallel_loop3A_768 : i32 to index
        %parallel_loop3A_770 = arith.index_cast %parallel_loop3A_745 : i32 to index
        %parallel_loop3A_771 = arith.constant 32 : index
        %parallel_loop3A_772 = tpu.vector_load %arg6[%parallel_loop3A_769, %parallel_loop3A_770, %parallel_loop3A_771] {strides = array<i32>} : memref<3x200x128xf32, #tpu.memory_space<vmem>>, vector<1x1x16xf32>,
        %parallel_loop3A_773 = vector.shape_cast %parallel_loop3A_772 : vector<1x1x16xf32> to vector<16xf32>
        %parallel_loop3A_774 = arith.addf %parallel_loop3A_748, %parallel_loop3A_773 : vector<16xf32>
        %parallel_loop3A_775 = arith.constant 0 : i32
        %parallel_loop3A_776 = arith.index_cast %parallel_loop3A_775 : i32 to index
        %parallel_loop3A_777 = arith.index_cast %parallel_loop3A_745 : i32 to index
        %parallel_loop3A_778 = arith.constant 48 : index
        %parallel_loop3A_779 = tpu.vector_load %arg6[%parallel_loop3A_776, %parallel_loop3A_777, %parallel_loop3A_778] {strides = array<i32>} : memref<3x200x128xf32, #tpu.memory_space<vmem>>, vector<1x1x16xf32>,
        %parallel_loop3A_780 = vector.shape_cast %parallel_loop3A_779 : vector<1x1x16xf32> to vector<16xf32>
        %parallel_loop3A_781 = arith.addf %parallel_loop3A_749, %parallel_loop3A_780 : vector<16xf32>
        %parallel_loop3A_782 = arith.constant 0 : i32
        %parallel_loop3A_783 = arith.index_cast %parallel_loop3A_782 : i32 to index
        %parallel_loop3A_784 = arith.index_cast %parallel_loop3A_745 : i32 to index
        %parallel_loop3A_785 = arith.constant 64 : index
        %parallel_loop3A_786 = tpu.vector_load %arg6[%parallel_loop3A_783, %parallel_loop3A_784, %parallel_loop3A_785] {strides = array<i32>} : memref<3x200x128xf32, #tpu.memory_space<vmem>>, vector<1x1x16xf32>,
        %parallel_loop3A_787 = vector.shape_cast %parallel_loop3A_786 : vector<1x1x16xf32> to vector<16xf32>
        %parallel_loop3A_788 = arith.addf %parallel_loop3A_750, %parallel_loop3A_787 : vector<16xf32>
        %parallel_loop3A_789 = arith.constant 0 : i32
        %parallel_loop3A_790 = arith.index_cast %parallel_loop3A_789 : i32 to index
        %parallel_loop3A_791 = arith.index_cast %parallel_loop3A_745 : i32 to index
        %parallel_loop3A_792 = arith.constant 80 : index
        %parallel_loop3A_793 = tpu.vector_load %arg6[%parallel_loop3A_790, %parallel_loop3A_791, %parallel_loop3A_792] {strides = array<i32>} : memref<3x200x128xf32, #tpu.memory_space<vmem>>, vector<1x1x16xf32>,
        %parallel_loop3A_794 = vector.shape_cast %parallel_loop3A_793 : vector<1x1x16xf32> to vector<16xf32>
        %parallel_loop3A_795 = arith.addf %parallel_loop3A_751, %parallel_loop3A_794 : vector<16xf32>
        %parallel_loop3A_796 = arith.constant 0 : i32
        %parallel_loop3A_797 = arith.index_cast %parallel_loop3A_796 : i32 to index
        %parallel_loop3A_798 = arith.index_cast %parallel_loop3A_745 : i32 to index
        %parallel_loop3A_799 = arith.constant 96 : index
        %parallel_loop3A_800 = tpu.vector_load %arg6[%parallel_loop3A_797, %parallel_loop3A_798, %parallel_loop3A_799] {strides = array<i32>} : memref<3x200x128xf32, #tpu.memory_space<vmem>>, vector<1x1x16xf32>,
        %parallel_loop3A_801 = vector.shape_cast %parallel_loop3A_800 : vector<1x1x16xf32> to vector<16xf32>
        %parallel_loop3A_802 = arith.addf %parallel_loop3A_752, %parallel_loop3A_801 : vector<16xf32>
        %parallel_loop3A_803 = arith.constant 0 : i32
        %parallel_loop3A_804 = arith.index_cast %parallel_loop3A_803 : i32 to index
        %parallel_loop3A_805 = arith.index_cast %parallel_loop3A_745 : i32 to index
        %parallel_loop3A_806 = arith.constant 112 : index
        %parallel_loop3A_807 = tpu.vector_load %arg6[%parallel_loop3A_804, %parallel_loop3A_805, %parallel_loop3A_806] {strides = array<i32>} : memref<3x200x128xf32, #tpu.memory_space<vmem>>, vector<1x1x16xf32>,
        %parallel_loop3A_808 = vector.shape_cast %parallel_loop3A_807 : vector<1x1x16xf32> to vector<16xf32>
        %parallel_loop3A_809 = arith.addf %parallel_loop3A_753, %parallel_loop3A_808 : vector<16xf32>
        scf.yield %parallel_loop3A_760, %parallel_loop3A_767, %parallel_loop3A_774, %parallel_loop3A_781, %parallel_loop3A_788, %parallel_loop3A_795, %parallel_loop3A_802, %parallel_loop3A_809 : vector<16xf32>, vector<16xf32>, vector<16xf32>, vector<16xf32>, vector<16xf32>, vector<16xf32>, vector<16xf32>, vector<16xf32>
      } {sc.loop_unroll_factor = 4 : i64, sc.parallel_access}
      %mul3A_384 = arith.constant 5.000000e-03 : f32
      %mul3A_385 = vector.broadcast %mul3A_384 : f32 to vector<16xf32>
      %mul3A_386 = arith.mulf %parallel_loop3A_383#0, %mul3A_385 : vector<16xf32>
      %swap3A_387 = arith.index_cast %mul3A_301 : i32 to index
      %swap3A_388 = arith.constant 0 : index
      %swap3A_389 = tpu.vector_load %arg7[%swap3A_387, %swap3A_388] {strides = array<i32>} : memref<128x128xf32, #tpu.memory_space<vmem>>, vector<1x16xf32>,
      %swap3A_390 = vector.shape_cast %swap3A_389 : vector<1x16xf32> to vector<16xf32>
      %swap3A_391 = vector.shape_cast %mul3A_386 : vector<16xf32> to vector<1x16xf32>
      tpu.vector_store %arg7[%swap3A_387, %swap3A_388], %swap3A_391 {strides = array<i32>} : memref<128x128xf32, #tpu.memory_space<vmem>>, vector<1x16xf32>,
      %mul3A_392 = arith.constant 5.000000e-03 : f32
      %mul3A_393 = vector.broadcast %mul3A_392 : f32 to vector<16xf32>
      %mul3A_394 = arith.mulf %parallel_loop3A_383#1, %mul3A_393 : vector<16xf32>
      %swap3A_395 = arith.index_cast %mul3A_301 : i32 to index
      %swap3A_396 = arith.constant 16 : index
      %swap3A_397 = tpu.vector_load %arg7[%swap3A_395, %swap3A_396] {strides = array<i32>} : memref<128x128xf32, #tpu.memory_space<vmem>>, vector<1x16xf32>,
      %swap3A_398 = vector.shape_cast %swap3A_397 : vector<1x16xf32> to vector<16xf32>
      %swap3A_399 = vector.shape_cast %mul3A_394 : vector<16xf32> to vector<1x16xf32>
      tpu.vector_store %arg7[%swap3A_395, %swap3A_396], %swap3A_399 {strides = array<i32>} : memref<128x128xf32, #tpu.memory_space<vmem>>, vector<1x16xf32>,
      %mul3A_400 = arith.constant 5.000000e-03 : f32
      %mul3A_401 = vector.broadcast %mul3A_400 : f32 to vector<16xf32>
      %mul3A_402 = arith.mulf %parallel_loop3A_383#2, %mul3A_401 : vector<16xf32>
      %swap3A_403 = arith.index_cast %mul3A_301 : i32 to index
      %swap3A_404 = arith.constant 32 : index
      %swap3A_405 = tpu.vector_load %arg7[%swap3A_403, %swap3A_404] {strides = array<i32>} : memref<128x128xf32, #tpu.memory_space<vmem>>, vector<1x16xf32>,
      %swap3A_406 = vector.shape_cast %swap3A_405 : vector<1x16xf32> to vector<16xf32>
      %swap3A_407 = vector.shape_cast %mul3A_402 : vector<16xf32> to vector<1x16xf32>
      tpu.vector_store %arg7[%swap3A_403, %swap3A_404], %swap3A_407 {strides = array<i32>} : memref<128x128xf32, #tpu.memory_space<vmem>>, vector<1x16xf32>,
      %mul3A_408 = arith.constant 5.000000e-03 : f32
      %mul3A_409 = vector.broadcast %mul3A_408 : f32 to vector<16xf32>
      %mul3A_410 = arith.mulf %parallel_loop3A_383#3, %mul3A_409 : vector<16xf32>
      %swap3A_411 = arith.index_cast %mul3A_301 : i32 to index
      %swap3A_412 = arith.constant 48 : index
      %swap3A_413 = tpu.vector_load %arg7[%swap3A_411, %swap3A_412] {strides = array<i32>} : memref<128x128xf32, #tpu.memory_space<vmem>>, vector<1x16xf32>,
      %swap3A_414 = vector.shape_cast %swap3A_413 : vector<1x16xf32> to vector<16xf32>
      %swap3A_415 = vector.shape_cast %mul3A_410 : vector<16xf32> to vector<1x16xf32>
      tpu.vector_store %arg7[%swap3A_411, %swap3A_412], %swap3A_415 {strides = array<i32>} : memref<128x128xf32, #tpu.memory_space<vmem>>, vector<1x16xf32>,
      %mul3A_416 = arith.constant 5.000000e-03 : f32
      %mul3A_417 = vector.broadcast %mul3A_416 : f32 to vector<16xf32>
      %mul3A_418 = arith.mulf %parallel_loop3A_383#4, %mul3A_417 : vector<16xf32>
      %swap3A_419 = arith.index_cast %mul3A_301 : i32 to index
      %swap3A_420 = arith.constant 64 : index
      %swap3A_421 = tpu.vector_load %arg7[%swap3A_419, %swap3A_420] {strides = array<i32>} : memref<128x128xf32, #tpu.memory_space<vmem>>, vector<1x16xf32>,
      %swap3A_422 = vector.shape_cast %swap3A_421 : vector<1x16xf32> to vector<16xf32>
      %swap3A_423 = vector.shape_cast %mul3A_418 : vector<16xf32> to vector<1x16xf32>
      tpu.vector_store %arg7[%swap3A_419, %swap3A_420], %swap3A_423 {strides = array<i32>} : memref<128x128xf32, #tpu.memory_space<vmem>>, vector<1x16xf32>,
      %mul3A_424 = arith.constant 5.000000e-03 : f32
      %mul3A_425 = vector.broadcast %mul3A_424 : f32 to vector<16xf32>
      %mul3A_426 = arith.mulf %parallel_loop3A_383#5, %mul3A_425 : vector<16xf32>
      %swap3A_427 = arith.index_cast %mul3A_301 : i32 to index
      %swap3A_428 = arith.constant 80 : index
      %swap3A_429 = tpu.vector_load %arg7[%swap3A_427, %swap3A_428] {strides = array<i32>} : memref<128x128xf32, #tpu.memory_space<vmem>>, vector<1x16xf32>,
      %swap3A_430 = vector.shape_cast %swap3A_429 : vector<1x16xf32> to vector<16xf32>
      %swap3A_431 = vector.shape_cast %mul3A_426 : vector<16xf32> to vector<1x16xf32>
      tpu.vector_store %arg7[%swap3A_427, %swap3A_428], %swap3A_431 {strides = array<i32>} : memref<128x128xf32, #tpu.memory_space<vmem>>, vector<1x16xf32>,
      %mul3A_432 = arith.constant 5.000000e-03 : f32
      %mul3A_433 = vector.broadcast %mul3A_432 : f32 to vector<16xf32>
      %mul3A_434 = arith.mulf %parallel_loop3A_383#6, %mul3A_433 : vector<16xf32>
      %swap3A_435 = arith.index_cast %mul3A_301 : i32 to index
      %swap3A_436 = arith.constant 96 : index
      %swap3A_437 = tpu.vector_load %arg7[%swap3A_435, %swap3A_436] {strides = array<i32>} : memref<128x128xf32, #tpu.memory_space<vmem>>, vector<1x16xf32>,
      %swap3A_438 = vector.shape_cast %swap3A_437 : vector<1x16xf32> to vector<16xf32>
      %swap3A_439 = vector.shape_cast %mul3A_434 : vector<16xf32> to vector<1x16xf32>
      tpu.vector_store %arg7[%swap3A_435, %swap3A_436], %swap3A_439 {strides = array<i32>} : memref<128x128xf32, #tpu.memory_space<vmem>>, vector<1x16xf32>,
      %mul3A_440 = arith.constant 5.000000e-03 : f32
      %mul3A_441 = vector.broadcast %mul3A_440 : f32 to vector<16xf32>
      %mul3A_442 = arith.mulf %parallel_loop3A_383#7, %mul3A_441 : vector<16xf32>
      %swap3A_443 = arith.index_cast %mul3A_301 : i32 to index
      %swap3A_444 = arith.constant 112 : index
      %swap3A_445 = tpu.vector_load %arg7[%swap3A_443, %swap3A_444] {strides = array<i32>} : memref<128x128xf32, #tpu.memory_space<vmem>>, vector<1x16xf32>,
      %swap3A_446 = vector.shape_cast %swap3A_445 : vector<1x16xf32> to vector<16xf32>
      %swap3A_447 = vector.shape_cast %mul3A_442 : vector<16xf32> to vector<1x16xf32>
      tpu.vector_store %arg7[%swap3A_443, %swap3A_444], %swap3A_447 {strides = array<i32>} : memref<128x128xf32, #tpu.memory_space<vmem>>, vector<1x16xf32>,
      %add3A_448 = arith.constant 3 : i32
      %add3A_449 = arith.addi %mul3A_301, %add3A_448 : i32
      %mul3A_450 = arith.constant 2 : i32
      %mul3A_451 = arith.muli %add3A_449, %mul3A_450 : i32
      %add3A_452 = arith.constant 0 : i32
      %add3A_453 = arith.addi %mul3A_451, %add3A_452 : i32
      %dma_start3A_454 = arith.constant 0 : i32
      %dma_start3A_455 = arith.constant 0 : i32
      %dma_start3A_456 = arith.constant 0 : i32
      %dma_start3A_457 = tpu.memref_slice %arg6[%dma_start3A_454, %dma_start3A_455, %dma_start3A_456] : memref<3x200x128xf32, #tpu.memory_space<vmem>> -> memref<1x128x128xf32, #tpu.memory_space<vmem>>
      %dma_start3A_458 = tpu.memref_squeeze %dma_start3A_457 : memref<1x128x128xf32, #tpu.memory_space<vmem>> -> memref<128x128xf32, #tpu.memory_space<vmem>>
      %dma_start3A_459 = arith.constant 0 : i32
      %dma_start3A_460 = tpu.memref_slice %arg5[%add3A_453, %dma_start3A_459] : memref<256x128xi32, #tpu.memory_space<vmem>> -> memref<1x128xi32, #tpu.memory_space<vmem>>
      %dma_start3A_461 = tpu.memref_squeeze %dma_start3A_460 : memref<1x128xi32, #tpu.memory_space<vmem>> -> memref<128xi32, #tpu.memory_space<vmem>>
      %dma_start3A_462 = arith.constant 0 : i32
      %dma_start3A_463 = arith.constant 0 : i32
      %dma_start3A_464 = tpu.memref_slice %arg3[%dma_start3A_462, %dma_start3A_463] : memref<1000000x128xf32, #tpu.memory_space<hbm>> -> memref<1000000x128xf32, #tpu.memory_space<hbm>>
      tpu.enqueue_indirect_dma source(%dma_start3A_464 : memref<1000000x128xf32, #tpu.memory_space<hbm>>) target(%dma_start3A_458 : memref<128x128xf32, #tpu.memory_space<vmem>>) offsets(%dma_start3A_461 : memref<128xi32, #tpu.memory_space<vmem>>) semaphore(%arg8 : memref<!tpu.dma_semaphore, #tpu.memory_space<semaphore_mem>>)
      %mul3A_465 = arith.constant 2 : i32
      %mul3A_466 = arith.muli %add3A_449, %mul3A_465 : i32
      %add3A_467 = arith.constant 1 : i32
      %add3A_468 = arith.addi %mul3A_466, %add3A_467 : i32
      %dma_start3A_469 = arith.constant 0 : i32
      %dma_start3A_470 = arith.constant 128 : i32
      %dma_start3A_471 = arith.constant 0 : i32
      %dma_start3A_472 = tpu.memref_slice %arg6[%dma_start3A_469, %dma_start3A_470, %dma_start3A_471] : memref<3x200x128xf32, #tpu.memory_space<vmem>> -> memref<1x72x128xf32, #tpu.memory_space<vmem>>
      %dma_start3A_473 = tpu.memref_squeeze %dma_start3A_472 : memref<1x72x128xf32, #tpu.memory_space<vmem>> -> memref<72x128xf32, #tpu.memory_space<vmem>>
      %dma_start3A_474 = arith.constant 0 : i32
      %dma_start3A_475 = tpu.memref_slice %arg5[%add3A_468, %dma_start3A_474] : memref<256x128xi32, #tpu.memory_space<vmem>> -> memref<1x72xi32, #tpu.memory_space<vmem>>
      %dma_start3A_476 = tpu.memref_squeeze %dma_start3A_475 : memref<1x72xi32, #tpu.memory_space<vmem>> -> memref<72xi32, #tpu.memory_space<vmem>>
      %dma_start3A_477 = arith.constant 0 : i32
      %dma_start3A_478 = arith.constant 0 : i32
      %dma_start3A_479 = tpu.memref_slice %arg3[%dma_start3A_477, %dma_start3A_478] : memref<1000000x128xf32, #tpu.memory_space<hbm>> -> memref<1000000x128xf32, #tpu.memory_space<hbm>>
      tpu.enqueue_indirect_dma source(%dma_start3A_479 : memref<1000000x128xf32, #tpu.memory_space<hbm>>) target(%dma_start3A_473 : memref<72x128xf32, #tpu.memory_space<vmem>>) offsets(%dma_start3A_476 : memref<72xi32, #tpu.memory_space<vmem>>) semaphore(%arg8 : memref<!tpu.dma_semaphore, #tpu.memory_space<semaphore_mem>>)
      %dma_wait3A_480 = arith.constant 1 : i32
      %dma_wait3A_481 = arith.constant 0 : i32
      %dma_wait3A_482 = arith.constant 0 : i32
      %dma_wait3A_483 = tpu.memref_slice %arg6[%dma_wait3A_480, %dma_wait3A_481, %dma_wait3A_482] : memref<3x200x128xf32, #tpu.memory_space<vmem>> -> memref<1x128x128xf32, #tpu.memory_space<vmem>>
      %dma_wait3A_484 = tpu.memref_squeeze %dma_wait3A_483 : memref<1x128x128xf32, #tpu.memory_space<vmem>> -> memref<128x128xf32, #tpu.memory_space<vmem>>
      %dma_wait3A_485 = arith.constant 0 : i32
      %dma_wait3A_486 = arith.constant 0 : i32
      %dma_wait3A_487 = tpu.memref_slice %arg3[%dma_wait3A_485, %dma_wait3A_486] : memref<1000000x128xf32, #tpu.memory_space<hbm>> -> memref<128x128xf32, #tpu.memory_space<hbm>>
      %dma_wait3A_488 = arith.constant 0 : i32
      %dma_wait3A_489 = arith.constant 0 : i32
      %dma_wait3A_490 = tpu.memref_slice %arg6[%dma_wait3A_480, %dma_wait3A_488, %dma_wait3A_489] : memref<3x200x128xf32, #tpu.memory_space<vmem>> -> memref<1x128x128xf32, #tpu.memory_space<vmem>>
      %dma_wait3A_491 = tpu.memref_squeeze %dma_wait3A_490 : memref<1x128x128xf32, #tpu.memory_space<vmem>> -> memref<128x128xf32, #tpu.memory_space<vmem>>
      %dma_wait3A_492 = arith.constant 0 : i32
      %dma_wait3A_493 = arith.constant 0 : i32
      %dma_wait3A_494 = tpu.memref_slice %arg3[%dma_wait3A_492, %dma_wait3A_493] : memref<1000000x128xf32, #tpu.memory_space<hbm>> -> memref<128x128xf32, #tpu.memory_space<hbm>>
      tpu.wait_dma2 semaphore(%arg9 : memref<!tpu.dma_semaphore, #tpu.memory_space<semaphore_mem>>) src(%dma_wait3A_494 : memref<128x128xf32, #tpu.memory_space<hbm>>) dst(%dma_wait3A_491 : memref<128x128xf32, #tpu.memory_space<vmem>>)
      %dma_wait3A_495 = arith.constant 1 : i32
      %dma_wait3A_496 = arith.constant 128 : i32
      %dma_wait3A_497 = arith.constant 0 : i32
      %dma_wait3A_498 = tpu.memref_slice %arg6[%dma_wait3A_495, %dma_wait3A_496, %dma_wait3A_497] : memref<3x200x128xf32, #tpu.memory_space<vmem>> -> memref<1x72x128xf32, #tpu.memory_space<vmem>>
      %dma_wait3A_499 = tpu.memref_squeeze %dma_wait3A_498 : memref<1x72x128xf32, #tpu.memory_space<vmem>> -> memref<72x128xf32, #tpu.memory_space<vmem>>
      %dma_wait3A_500 = arith.constant 0 : i32
      %dma_wait3A_501 = arith.constant 0 : i32
      %dma_wait3A_502 = tpu.memref_slice %arg3[%dma_wait3A_500, %dma_wait3A_501] : memref<1000000x128xf32, #tpu.memory_space<hbm>> -> memref<72x128xf32, #tpu.memory_space<hbm>>
      %dma_wait3A_503 = arith.constant 128 : i32
      %dma_wait3A_504 = arith.constant 0 : i32
      %dma_wait3A_505 = tpu.memref_slice %arg6[%dma_wait3A_495, %dma_wait3A_503, %dma_wait3A_504] : memref<3x200x128xf32, #tpu.memory_space<vmem>> -> memref<1x72x128xf32, #tpu.memory_space<vmem>>
      %dma_wait3A_506 = tpu.memref_squeeze %dma_wait3A_505 : memref<1x72x128xf32, #tpu.memory_space<vmem>> -> memref<72x128xf32, #tpu.memory_space<vmem>>
      %dma_wait3A_507 = arith.constant 0 : i32
      %dma_wait3A_508 = arith.constant 0 : i32
      %dma_wait3A_509 = tpu.memref_slice %arg3[%dma_wait3A_507, %dma_wait3A_508] : memref<1000000x128xf32, #tpu.memory_space<hbm>> -> memref<72x128xf32, #tpu.memory_space<hbm>>
      tpu.wait_dma2 semaphore(%arg9 : memref<!tpu.dma_semaphore, #tpu.memory_space<semaphore_mem>>) src(%dma_wait3A_509 : memref<72x128xf32, #tpu.memory_space<hbm>>) dst(%dma_wait3A_506 : memref<72x128xf32, #tpu.memory_space<vmem>>)
      %add3A_510 = arith.constant 1 : i32
      %add3A_511 = arith.addi %mul3A_301, %add3A_510 : i32
      %broadcast_in_dim3A_512 = arith.constant 0.000000e+00 : f32
      %broadcast_in_dim3A_513 = vector.broadcast %broadcast_in_dim3A_512 : f32 to vector<16xf32>
      %broadcast_in_dim3A_514 = arith.constant 0.000000e+00 : f32
      %broadcast_in_dim3A_515 = vector.broadcast %broadcast_in_dim3A_514 : f32 to vector<16xf32>
      %broadcast_in_dim3A_516 = arith.constant 0.000000e+00 : f32
      %broadcast_in_dim3A_517 = vector.broadcast %broadcast_in_dim3A_516 : f32 to vector<16xf32>
      %broadcast_in_dim3A_518 = arith.constant 0.000000e+00 : f32
      %broadcast_in_dim3A_519 = vector.broadcast %broadcast_in_dim3A_518 : f32 to vector<16xf32>
      %broadcast_in_dim3A_520 = arith.constant 0.000000e+00 : f32
      %broadcast_in_dim3A_521 = vector.broadcast %broadcast_in_dim3A_520 : f32 to vector<16xf32>
      %broadcast_in_dim3A_522 = arith.constant 0.000000e+00 : f32
      %broadcast_in_dim3A_523 = vector.broadcast %broadcast_in_dim3A_522 : f32 to vector<16xf32>
      %broadcast_in_dim3A_524 = arith.constant 0.000000e+00 : f32
      %broadcast_in_dim3A_525 = vector.broadcast %broadcast_in_dim3A_524 : f32 to vector<16xf32>
      %broadcast_in_dim3A_526 = arith.constant 0.000000e+00 : f32
      %broadcast_in_dim3A_527 = vector.broadcast %broadcast_in_dim3A_526 : f32 to vector<16xf32>
      %parallel_loop3A_528 = arith.constant 0 : i32
      %parallel_loop3A_529 = arith.constant 200 : i32
      %parallel_loop3A_530 = arith.constant 1 : i32
      %parallel_loop3A_531:8 = scf.for %parallel_loop3A_745 = %parallel_loop3A_528 to %parallel_loop3A_529 step %parallel_loop3A_530 iter_args(%parallel_loop3A_746 = %broadcast_in_dim3A_513, %parallel_loop3A_747 = %broadcast_in_dim3A_515, %parallel_loop3A_748 = %broadcast_in_dim3A_517, %parallel_loop3A_749 = %broadcast_in_dim3A_519, %parallel_loop3A_750 = %broadcast_in_dim3A_521, %parallel_loop3A_751 = %broadcast_in_dim3A_523, %parallel_loop3A_752 = %broadcast_in_dim3A_525, %parallel_loop3A_753 = %broadcast_in_dim3A_527) -> (vector<16xf32>, vector<16xf32>, vector<16xf32>, vector<16xf32>, vector<16xf32>, vector<16xf32>, vector<16xf32>, vector<16xf32>)  : i32 {
        %parallel_loop3A_754 = arith.constant 1 : i32
        %parallel_loop3A_755 = arith.index_cast %parallel_loop3A_754 : i32 to index
        %parallel_loop3A_756 = arith.index_cast %parallel_loop3A_745 : i32 to index
        %parallel_loop3A_757 = arith.constant 0 : index
        %parallel_loop3A_758 = tpu.vector_load %arg6[%parallel_loop3A_755, %parallel_loop3A_756, %parallel_loop3A_757] {strides = array<i32>} : memref<3x200x128xf32, #tpu.memory_space<vmem>>, vector<1x1x16xf32>,
        %parallel_loop3A_759 = vector.shape_cast %parallel_loop3A_758 : vector<1x1x16xf32> to vector<16xf32>
        %parallel_loop3A_760 = arith.addf %parallel_loop3A_746, %parallel_loop3A_759 : vector<16xf32>
        %parallel_loop3A_761 = arith.constant 1 : i32
        %parallel_loop3A_762 = arith.index_cast %parallel_loop3A_761 : i32 to index
        %parallel_loop3A_763 = arith.index_cast %parallel_loop3A_745 : i32 to index
        %parallel_loop3A_764 = arith.constant 16 : index
        %parallel_loop3A_765 = tpu.vector_load %arg6[%parallel_loop3A_762, %parallel_loop3A_763, %parallel_loop3A_764] {strides = array<i32>} : memref<3x200x128xf32, #tpu.memory_space<vmem>>, vector<1x1x16xf32>,
        %parallel_loop3A_766 = vector.shape_cast %parallel_loop3A_765 : vector<1x1x16xf32> to vector<16xf32>
        %parallel_loop3A_767 = arith.addf %parallel_loop3A_747, %parallel_loop3A_766 : vector<16xf32>
        %parallel_loop3A_768 = arith.constant 1 : i32
        %parallel_loop3A_769 = arith.index_cast %parallel_loop3A_768 : i32 to index
        %parallel_loop3A_770 = arith.index_cast %parallel_loop3A_745 : i32 to index
        %parallel_loop3A_771 = arith.constant 32 : index
        %parallel_loop3A_772 = tpu.vector_load %arg6[%parallel_loop3A_769, %parallel_loop3A_770, %parallel_loop3A_771] {strides = array<i32>} : memref<3x200x128xf32, #tpu.memory_space<vmem>>, vector<1x1x16xf32>,
        %parallel_loop3A_773 = vector.shape_cast %parallel_loop3A_772 : vector<1x1x16xf32> to vector<16xf32>
        %parallel_loop3A_774 = arith.addf %parallel_loop3A_748, %parallel_loop3A_773 : vector<16xf32>
        %parallel_loop3A_775 = arith.constant 1 : i32
        %parallel_loop3A_776 = arith.index_cast %parallel_loop3A_775 : i32 to index
        %parallel_loop3A_777 = arith.index_cast %parallel_loop3A_745 : i32 to index
        %parallel_loop3A_778 = arith.constant 48 : index
        %parallel_loop3A_779 = tpu.vector_load %arg6[%parallel_loop3A_776, %parallel_loop3A_777, %parallel_loop3A_778] {strides = array<i32>} : memref<3x200x128xf32, #tpu.memory_space<vmem>>, vector<1x1x16xf32>,
        %parallel_loop3A_780 = vector.shape_cast %parallel_loop3A_779 : vector<1x1x16xf32> to vector<16xf32>
        %parallel_loop3A_781 = arith.addf %parallel_loop3A_749, %parallel_loop3A_780 : vector<16xf32>
        %parallel_loop3A_782 = arith.constant 1 : i32
        %parallel_loop3A_783 = arith.index_cast %parallel_loop3A_782 : i32 to index
        %parallel_loop3A_784 = arith.index_cast %parallel_loop3A_745 : i32 to index
        %parallel_loop3A_785 = arith.constant 64 : index
        %parallel_loop3A_786 = tpu.vector_load %arg6[%parallel_loop3A_783, %parallel_loop3A_784, %parallel_loop3A_785] {strides = array<i32>} : memref<3x200x128xf32, #tpu.memory_space<vmem>>, vector<1x1x16xf32>,
        %parallel_loop3A_787 = vector.shape_cast %parallel_loop3A_786 : vector<1x1x16xf32> to vector<16xf32>
        %parallel_loop3A_788 = arith.addf %parallel_loop3A_750, %parallel_loop3A_787 : vector<16xf32>
        %parallel_loop3A_789 = arith.constant 1 : i32
        %parallel_loop3A_790 = arith.index_cast %parallel_loop3A_789 : i32 to index
        %parallel_loop3A_791 = arith.index_cast %parallel_loop3A_745 : i32 to index
        %parallel_loop3A_792 = arith.constant 80 : index
        %parallel_loop3A_793 = tpu.vector_load %arg6[%parallel_loop3A_790, %parallel_loop3A_791, %parallel_loop3A_792] {strides = array<i32>} : memref<3x200x128xf32, #tpu.memory_space<vmem>>, vector<1x1x16xf32>,
        %parallel_loop3A_794 = vector.shape_cast %parallel_loop3A_793 : vector<1x1x16xf32> to vector<16xf32>
        %parallel_loop3A_795 = arith.addf %parallel_loop3A_751, %parallel_loop3A_794 : vector<16xf32>
        %parallel_loop3A_796 = arith.constant 1 : i32
        %parallel_loop3A_797 = arith.index_cast %parallel_loop3A_796 : i32 to index
        %parallel_loop3A_798 = arith.index_cast %parallel_loop3A_745 : i32 to index
        %parallel_loop3A_799 = arith.constant 96 : index
        %parallel_loop3A_800 = tpu.vector_load %arg6[%parallel_loop3A_797, %parallel_loop3A_798, %parallel_loop3A_799] {strides = array<i32>} : memref<3x200x128xf32, #tpu.memory_space<vmem>>, vector<1x1x16xf32>,
        %parallel_loop3A_801 = vector.shape_cast %parallel_loop3A_800 : vector<1x1x16xf32> to vector<16xf32>
        %parallel_loop3A_802 = arith.addf %parallel_loop3A_752, %parallel_loop3A_801 : vector<16xf32>
        %parallel_loop3A_803 = arith.constant 1 : i32
        %parallel_loop3A_804 = arith.index_cast %parallel_loop3A_803 : i32 to index
        %parallel_loop3A_805 = arith.index_cast %parallel_loop3A_745 : i32 to index
        %parallel_loop3A_806 = arith.constant 112 : index
        %parallel_loop3A_807 = tpu.vector_load %arg6[%parallel_loop3A_804, %parallel_loop3A_805, %parallel_loop3A_806] {strides = array<i32>} : memref<3x200x128xf32, #tpu.memory_space<vmem>>, vector<1x1x16xf32>,
        %parallel_loop3A_808 = vector.shape_cast %parallel_loop3A_807 : vector<1x1x16xf32> to vector<16xf32>
        %parallel_loop3A_809 = arith.addf %parallel_loop3A_753, %parallel_loop3A_808 : vector<16xf32>
        scf.yield %parallel_loop3A_760, %parallel_loop3A_767, %parallel_loop3A_774, %parallel_loop3A_781, %parallel_loop3A_788, %parallel_loop3A_795, %parallel_loop3A_802, %parallel_loop3A_809 : vector<16xf32>, vector<16xf32>, vector<16xf32>, vector<16xf32>, vector<16xf32>, vector<16xf32>, vector<16xf32>, vector<16xf32>
      } {sc.loop_unroll_factor = 4 : i64, sc.parallel_access}
      %mul3A_532 = arith.constant 5.000000e-03 : f32
      %mul3A_533 = vector.broadcast %mul3A_532 : f32 to vector<16xf32>
      %mul3A_534 = arith.mulf %parallel_loop3A_531#0, %mul3A_533 : vector<16xf32>
      %swap3A_535 = arith.index_cast %add3A_511 : i32 to index
      %swap3A_536 = arith.constant 0 : index
      %swap3A_537 = tpu.vector_load %arg7[%swap3A_535, %swap3A_536] {strides = array<i32>} : memref<128x128xf32, #tpu.memory_space<vmem>>, vector<1x16xf32>,
      %swap3A_538 = vector.shape_cast %swap3A_537 : vector<1x16xf32> to vector<16xf32>
      %swap3A_539 = vector.shape_cast %mul3A_534 : vector<16xf32> to vector<1x16xf32>
      tpu.vector_store %arg7[%swap3A_535, %swap3A_536], %swap3A_539 {strides = array<i32>} : memref<128x128xf32, #tpu.memory_space<vmem>>, vector<1x16xf32>,
      %mul3A_540 = arith.constant 5.000000e-03 : f32
      %mul3A_541 = vector.broadcast %mul3A_540 : f32 to vector<16xf32>
      %mul3A_542 = arith.mulf %parallel_loop3A_531#1, %mul3A_541 : vector<16xf32>
      %swap3A_543 = arith.index_cast %add3A_511 : i32 to index
      %swap3A_544 = arith.constant 16 : index
      %swap3A_545 = tpu.vector_load %arg7[%swap3A_543, %swap3A_544] {strides = array<i32>} : memref<128x128xf32, #tpu.memory_space<vmem>>, vector<1x16xf32>,
      %swap3A_546 = vector.shape_cast %swap3A_545 : vector<1x16xf32> to vector<16xf32>
      %swap3A_547 = vector.shape_cast %mul3A_542 : vector<16xf32> to vector<1x16xf32>
      tpu.vector_store %arg7[%swap3A_543, %swap3A_544], %swap3A_547 {strides = array<i32>} : memref<128x128xf32, #tpu.memory_space<vmem>>, vector<1x16xf32>,
      %mul3A_548 = arith.constant 5.000000e-03 : f32
      %mul3A_549 = vector.broadcast %mul3A_548 : f32 to vector<16xf32>
      %mul3A_550 = arith.mulf %parallel_loop3A_531#2, %mul3A_549 : vector<16xf32>
      %swap3A_551 = arith.index_cast %add3A_511 : i32 to index
      %swap3A_552 = arith.constant 32 : index
      %swap3A_553 = tpu.vector_load %arg7[%swap3A_551, %swap3A_552] {strides = array<i32>} : memref<128x128xf32, #tpu.memory_space<vmem>>, vector<1x16xf32>,
      %swap3A_554 = vector.shape_cast %swap3A_553 : vector<1x16xf32> to vector<16xf32>
      %swap3A_555 = vector.shape_cast %mul3A_550 : vector<16xf32> to vector<1x16xf32>
      tpu.vector_store %arg7[%swap3A_551, %swap3A_552], %swap3A_555 {strides = array<i32>} : memref<128x128xf32, #tpu.memory_space<vmem>>, vector<1x16xf32>,
      %mul3A_556 = arith.constant 5.000000e-03 : f32
      %mul3A_557 = vector.broadcast %mul3A_556 : f32 to vector<16xf32>
      %mul3A_558 = arith.mulf %parallel_loop3A_531#3, %mul3A_557 : vector<16xf32>
      %swap3A_559 = arith.index_cast %add3A_511 : i32 to index
      %swap3A_560 = arith.constant 48 : index
      %swap3A_561 = tpu.vector_load %arg7[%swap3A_559, %swap3A_560] {strides = array<i32>} : memref<128x128xf32, #tpu.memory_space<vmem>>, vector<1x16xf32>,
      %swap3A_562 = vector.shape_cast %swap3A_561 : vector<1x16xf32> to vector<16xf32>
      %swap3A_563 = vector.shape_cast %mul3A_558 : vector<16xf32> to vector<1x16xf32>
      tpu.vector_store %arg7[%swap3A_559, %swap3A_560], %swap3A_563 {strides = array<i32>} : memref<128x128xf32, #tpu.memory_space<vmem>>, vector<1x16xf32>,
      %mul3A_564 = arith.constant 5.000000e-03 : f32
      %mul3A_565 = vector.broadcast %mul3A_564 : f32 to vector<16xf32>
      %mul3A_566 = arith.mulf %parallel_loop3A_531#4, %mul3A_565 : vector<16xf32>
      %swap3A_567 = arith.index_cast %add3A_511 : i32 to index
      %swap3A_568 = arith.constant 64 : index
      %swap3A_569 = tpu.vector_load %arg7[%swap3A_567, %swap3A_568] {strides = array<i32>} : memref<128x128xf32, #tpu.memory_space<vmem>>, vector<1x16xf32>,
      %swap3A_570 = vector.shape_cast %swap3A_569 : vector<1x16xf32> to vector<16xf32>
      %swap3A_571 = vector.shape_cast %mul3A_566 : vector<16xf32> to vector<1x16xf32>
      tpu.vector_store %arg7[%swap3A_567, %swap3A_568], %swap3A_571 {strides = array<i32>} : memref<128x128xf32, #tpu.memory_space<vmem>>, vector<1x16xf32>,
      %mul3A_572 = arith.constant 5.000000e-03 : f32
      %mul3A_573 = vector.broadcast %mul3A_572 : f32 to vector<16xf32>
      %mul3A_574 = arith.mulf %parallel_loop3A_531#5, %mul3A_573 : vector<16xf32>
      %swap3A_575 = arith.index_cast %add3A_511 : i32 to index
      %swap3A_576 = arith.constant 80 : index
      %swap3A_577 = tpu.vector_load %arg7[%swap3A_575, %swap3A_576] {strides = array<i32>} : memref<128x128xf32, #tpu.memory_space<vmem>>, vector<1x16xf32>,
      %swap3A_578 = vector.shape_cast %swap3A_577 : vector<1x16xf32> to vector<16xf32>
      %swap3A_579 = vector.shape_cast %mul3A_574 : vector<16xf32> to vector<1x16xf32>
      tpu.vector_store %arg7[%swap3A_575, %swap3A_576], %swap3A_579 {strides = array<i32>} : memref<128x128xf32, #tpu.memory_space<vmem>>, vector<1x16xf32>,
      %mul3A_580 = arith.constant 5.000000e-03 : f32
      %mul3A_581 = vector.broadcast %mul3A_580 : f32 to vector<16xf32>
      %mul3A_582 = arith.mulf %parallel_loop3A_531#6, %mul3A_581 : vector<16xf32>
      %swap3A_583 = arith.index_cast %add3A_511 : i32 to index
      %swap3A_584 = arith.constant 96 : index
      %swap3A_585 = tpu.vector_load %arg7[%swap3A_583, %swap3A_584] {strides = array<i32>} : memref<128x128xf32, #tpu.memory_space<vmem>>, vector<1x16xf32>,
      %swap3A_586 = vector.shape_cast %swap3A_585 : vector<1x16xf32> to vector<16xf32>
      %swap3A_587 = vector.shape_cast %mul3A_582 : vector<16xf32> to vector<1x16xf32>
      tpu.vector_store %arg7[%swap3A_583, %swap3A_584], %swap3A_587 {strides = array<i32>} : memref<128x128xf32, #tpu.memory_space<vmem>>, vector<1x16xf32>,
      %mul3A_588 = arith.constant 5.000000e-03 : f32
      %mul3A_589 = vector.broadcast %mul3A_588 : f32 to vector<16xf32>
      %mul3A_590 = arith.mulf %parallel_loop3A_531#7, %mul3A_589 : vector<16xf32>
      %swap3A_591 = arith.index_cast %add3A_511 : i32 to index
      %swap3A_592 = arith.constant 112 : index
      %swap3A_593 = tpu.vector_load %arg7[%swap3A_591, %swap3A_592] {strides = array<i32>} : memref<128x128xf32, #tpu.memory_space<vmem>>, vector<1x16xf32>,
      %swap3A_594 = vector.shape_cast %swap3A_593 : vector<1x16xf32> to vector<16xf32>
      %swap3A_595 = vector.shape_cast %mul3A_590 : vector<16xf32> to vector<1x16xf32>
      tpu.vector_store %arg7[%swap3A_591, %swap3A_592], %swap3A_595 {strides = array<i32>} : memref<128x128xf32, #tpu.memory_space<vmem>>, vector<1x16xf32>,
      %add3A_596 = arith.constant 4 : i32
      %add3A_597 = arith.addi %mul3A_301, %add3A_596 : i32
      %mul3A_598 = arith.constant 2 : i32
      %mul3A_599 = arith.muli %add3A_597, %mul3A_598 : i32
      %add3A_600 = arith.constant 0 : i32
      %add3A_601 = arith.addi %mul3A_599, %add3A_600 : i32
      %dma_start3A_602 = arith.constant 1 : i32
      %dma_start3A_603 = arith.constant 0 : i32
      %dma_start3A_604 = arith.constant 0 : i32
      %dma_start3A_605 = tpu.memref_slice %arg6[%dma_start3A_602, %dma_start3A_603, %dma_start3A_604] : memref<3x200x128xf32, #tpu.memory_space<vmem>> -> memref<1x128x128xf32, #tpu.memory_space<vmem>>
      %dma_start3A_606 = tpu.memref_squeeze %dma_start3A_605 : memref<1x128x128xf32, #tpu.memory_space<vmem>> -> memref<128x128xf32, #tpu.memory_space<vmem>>
      %dma_start3A_607 = arith.constant 0 : i32
      %dma_start3A_608 = tpu.memref_slice %arg5[%add3A_601, %dma_start3A_607] : memref<256x128xi32, #tpu.memory_space<vmem>> -> memref<1x128xi32, #tpu.memory_space<vmem>>
      %dma_start3A_609 = tpu.memref_squeeze %dma_start3A_608 : memref<1x128xi32, #tpu.memory_space<vmem>> -> memref<128xi32, #tpu.memory_space<vmem>>
      %dma_start3A_610 = arith.constant 0 : i32
      %dma_start3A_611 = arith.constant 0 : i32
      %dma_start3A_612 = tpu.memref_slice %arg3[%dma_start3A_610, %dma_start3A_611] : memref<1000000x128xf32, #tpu.memory_space<hbm>> -> memref<1000000x128xf32, #tpu.memory_space<hbm>>
      tpu.enqueue_indirect_dma source(%dma_start3A_612 : memref<1000000x128xf32, #tpu.memory_space<hbm>>) target(%dma_start3A_606 : memref<128x128xf32, #tpu.memory_space<vmem>>) offsets(%dma_start3A_609 : memref<128xi32, #tpu.memory_space<vmem>>) semaphore(%arg9 : memref<!tpu.dma_semaphore, #tpu.memory_space<semaphore_mem>>)
      %mul3A_613 = arith.constant 2 : i32
      %mul3A_614 = arith.muli %add3A_597, %mul3A_613 : i32
      %add3A_615 = arith.constant 1 : i32
      %add3A_616 = arith.addi %mul3A_614, %add3A_615 : i32
      %dma_start3A_617 = arith.constant 1 : i32
      %dma_start3A_618 = arith.constant 128 : i32
      %dma_start3A_619 = arith.constant 0 : i32
      %dma_start3A_620 = tpu.memref_slice %arg6[%dma_start3A_617, %dma_start3A_618, %dma_start3A_619] : memref<3x200x128xf32, #tpu.memory_space<vmem>> -> memref<1x72x128xf32, #tpu.memory_space<vmem>>
      %dma_start3A_621 = tpu.memref_squeeze %dma_start3A_620 : memref<1x72x128xf32, #tpu.memory_space<vmem>> -> memref<72x128xf32, #tpu.memory_space<vmem>>
      %dma_start3A_622 = arith.constant 0 : i32
      %dma_start3A_623 = tpu.memref_slice %arg5[%add3A_616, %dma_start3A_622] : memref<256x128xi32, #tpu.memory_space<vmem>> -> memref<1x72xi32, #tpu.memory_space<vmem>>
      %dma_start3A_624 = tpu.memref_squeeze %dma_start3A_623 : memref<1x72xi32, #tpu.memory_space<vmem>> -> memref<72xi32, #tpu.memory_space<vmem>>
      %dma_start3A_625 = arith.constant 0 : i32
      %dma_start3A_626 = arith.constant 0 : i32
      %dma_start3A_627 = tpu.memref_slice %arg3[%dma_start3A_625, %dma_start3A_626] : memref<1000000x128xf32, #tpu.memory_space<hbm>> -> memref<1000000x128xf32, #tpu.memory_space<hbm>>
      tpu.enqueue_indirect_dma source(%dma_start3A_627 : memref<1000000x128xf32, #tpu.memory_space<hbm>>) target(%dma_start3A_621 : memref<72x128xf32, #tpu.memory_space<vmem>>) offsets(%dma_start3A_624 : memref<72xi32, #tpu.memory_space<vmem>>) semaphore(%arg9 : memref<!tpu.dma_semaphore, #tpu.memory_space<semaphore_mem>>)
      %dma_wait3A_628 = arith.constant 2 : i32
      %dma_wait3A_629 = arith.constant 0 : i32
      %dma_wait3A_630 = arith.constant 0 : i32
      %dma_wait3A_631 = tpu.memref_slice %arg6[%dma_wait3A_628, %dma_wait3A_629, %dma_wait3A_630] : memref<3x200x128xf32, #tpu.memory_space<vmem>> -> memref<1x128x128xf32, #tpu.memory_space<vmem>>
      %dma_wait3A_632 = tpu.memref_squeeze %dma_wait3A_631 : memref<1x128x128xf32, #tpu.memory_space<vmem>> -> memref<128x128xf32, #tpu.memory_space<vmem>>
      %dma_wait3A_633 = arith.constant 0 : i32
      %dma_wait3A_634 = arith.constant 0 : i32
      %dma_wait3A_635 = tpu.memref_slice %arg3[%dma_wait3A_633, %dma_wait3A_634] : memref<1000000x128xf32, #tpu.memory_space<hbm>> -> memref<128x128xf32, #tpu.memory_space<hbm>>
      %dma_wait3A_636 = arith.constant 0 : i32
      %dma_wait3A_637 = arith.constant 0 : i32
      %dma_wait3A_638 = tpu.memref_slice %arg6[%dma_wait3A_628, %dma_wait3A_636, %dma_wait3A_637] : memref<3x200x128xf32, #tpu.memory_space<vmem>> -> memref<1x128x128xf32, #tpu.memory_space<vmem>>
      %dma_wait3A_639 = tpu.memref_squeeze %dma_wait3A_638 : memref<1x128x128xf32, #tpu.memory_space<vmem>> -> memref<128x128xf32, #tpu.memory_space<vmem>>
      %dma_wait3A_640 = arith.constant 0 : i32
      %dma_wait3A_641 = arith.constant 0 : i32
      %dma_wait3A_642 = tpu.memref_slice %arg3[%dma_wait3A_640, %dma_wait3A_641] : memref<1000000x128xf32, #tpu.memory_space<hbm>> -> memref<128x128xf32, #tpu.memory_space<hbm>>
      tpu.wait_dma2 semaphore(%arg10 : memref<!tpu.dma_semaphore, #tpu.memory_space<semaphore_mem>>) src(%dma_wait3A_642 : memref<128x128xf32, #tpu.memory_space<hbm>>) dst(%dma_wait3A_639 : memref<128x128xf32, #tpu.memory_space<vmem>>)
      %dma_wait3A_643 = arith.constant 2 : i32
      %dma_wait3A_644 = arith.constant 128 : i32
      %dma_wait3A_645 = arith.constant 0 : i32
      %dma_wait3A_646 = tpu.memref_slice %arg6[%dma_wait3A_643, %dma_wait3A_644, %dma_wait3A_645] : memref<3x200x128xf32, #tpu.memory_space<vmem>> -> memref<1x72x128xf32, #tpu.memory_space<vmem>>
      %dma_wait3A_647 = tpu.memref_squeeze %dma_wait3A_646 : memref<1x72x128xf32, #tpu.memory_space<vmem>> -> memref<72x128xf32, #tpu.memory_space<vmem>>
      %dma_wait3A_648 = arith.constant 0 : i32
      %dma_wait3A_649 = arith.constant 0 : i32
      %dma_wait3A_650 = tpu.memref_slice %arg3[%dma_wait3A_648, %dma_wait3A_649] : memref<1000000x128xf32, #tpu.memory_space<hbm>> -> memref<72x128xf32, #tpu.memory_space<hbm>>
      %dma_wait3A_651 = arith.constant 128 : i32
      %dma_wait3A_652 = arith.constant 0 : i32
      %dma_wait3A_653 = tpu.memref_slice %arg6[%dma_wait3A_643, %dma_wait3A_651, %dma_wait3A_652] : memref<3x200x128xf32, #tpu.memory_space<vmem>> -> memref<1x72x128xf32, #tpu.memory_space<vmem>>
      %dma_wait3A_654 = tpu.memref_squeeze %dma_wait3A_653 : memref<1x72x128xf32, #tpu.memory_space<vmem>> -> memref<72x128xf32, #tpu.memory_space<vmem>>
      %dma_wait3A_655 = arith.constant 0 : i32
      %dma_wait3A_656 = arith.constant 0 : i32
      %dma_wait3A_657 = tpu.memref_slice %arg3[%dma_wait3A_655, %dma_wait3A_656] : memref<1000000x128xf32, #tpu.memory_space<hbm>> -> memref<72x128xf32, #tpu.memory_space<hbm>>
      tpu.wait_dma2 semaphore(%arg10 : memref<!tpu.dma_semaphore, #tpu.memory_space<semaphore_mem>>) src(%dma_wait3A_657 : memref<72x128xf32, #tpu.memory_space<hbm>>) dst(%dma_wait3A_654 : memref<72x128xf32, #tpu.memory_space<vmem>>)
      %add3A_658 = arith.constant 2 : i32
      %add3A_659 = arith.addi %mul3A_301, %add3A_658 : i32
      %broadcast_in_dim3A_660 = arith.constant 0.000000e+00 : f32
      %broadcast_in_dim3A_661 = vector.broadcast %broadcast_in_dim3A_660 : f32 to vector<16xf32>
      %broadcast_in_dim3A_662 = arith.constant 0.000000e+00 : f32
      %broadcast_in_dim3A_663 = vector.broadcast %broadcast_in_dim3A_662 : f32 to vector<16xf32>
      %broadcast_in_dim3A_664 = arith.constant 0.000000e+00 : f32
      %broadcast_in_dim3A_665 = vector.broadcast %broadcast_in_dim3A_664 : f32 to vector<16xf32>
      %broadcast_in_dim3A_666 = arith.constant 0.000000e+00 : f32
      %broadcast_in_dim3A_667 = vector.broadcast %broadcast_in_dim3A_666 : f32 to vector<16xf32>
      %broadcast_in_dim3A_668 = arith.constant 0.000000e+00 : f32
      %broadcast_in_dim3A_669 = vector.broadcast %broadcast_in_dim3A_668 : f32 to vector<16xf32>
      %broadcast_in_dim3A_670 = arith.constant 0.000000e+00 : f32
      %broadcast_in_dim3A_671 = vector.broadcast %broadcast_in_dim3A_670 : f32 to vector<16xf32>
      %broadcast_in_dim3A_672 = arith.constant 0.000000e+00 : f32
      %broadcast_in_dim3A_673 = vector.broadcast %broadcast_in_dim3A_672 : f32 to vector<16xf32>
      %broadcast_in_dim3A_674 = arith.constant 0.000000e+00 : f32
      %broadcast_in_dim3A_675 = vector.broadcast %broadcast_in_dim3A_674 : f32 to vector<16xf32>
      %parallel_loop3A_676 = arith.constant 0 : i32
      %parallel_loop3A_677 = arith.constant 200 : i32
      %parallel_loop3A_678 = arith.constant 1 : i32
      %parallel_loop3A_679:8 = scf.for %parallel_loop3A_745 = %parallel_loop3A_676 to %parallel_loop3A_677 step %parallel_loop3A_678 iter_args(%parallel_loop3A_746 = %broadcast_in_dim3A_661, %parallel_loop3A_747 = %broadcast_in_dim3A_663, %parallel_loop3A_748 = %broadcast_in_dim3A_665, %parallel_loop3A_749 = %broadcast_in_dim3A_667, %parallel_loop3A_750 = %broadcast_in_dim3A_669, %parallel_loop3A_751 = %broadcast_in_dim3A_671, %parallel_loop3A_752 = %broadcast_in_dim3A_673, %parallel_loop3A_753 = %broadcast_in_dim3A_675) -> (vector<16xf32>, vector<16xf32>, vector<16xf32>, vector<16xf32>, vector<16xf32>, vector<16xf32>, vector<16xf32>, vector<16xf32>)  : i32 {
        %parallel_loop3A_754 = arith.constant 2 : i32
        %parallel_loop3A_755 = arith.index_cast %parallel_loop3A_754 : i32 to index
        %parallel_loop3A_756 = arith.index_cast %parallel_loop3A_745 : i32 to index
        %parallel_loop3A_757 = arith.constant 0 : index
        %parallel_loop3A_758 = tpu.vector_load %arg6[%parallel_loop3A_755, %parallel_loop3A_756, %parallel_loop3A_757] {strides = array<i32>} : memref<3x200x128xf32, #tpu.memory_space<vmem>>, vector<1x1x16xf32>,
        %parallel_loop3A_759 = vector.shape_cast %parallel_loop3A_758 : vector<1x1x16xf32> to vector<16xf32>
        %parallel_loop3A_760 = arith.addf %parallel_loop3A_746, %parallel_loop3A_759 : vector<16xf32>
        %parallel_loop3A_761 = arith.constant 2 : i32
        %parallel_loop3A_762 = arith.index_cast %parallel_loop3A_761 : i32 to index
        %parallel_loop3A_763 = arith.index_cast %parallel_loop3A_745 : i32 to index
        %parallel_loop3A_764 = arith.constant 16 : index
        %parallel_loop3A_765 = tpu.vector_load %arg6[%parallel_loop3A_762, %parallel_loop3A_763, %parallel_loop3A_764] {strides = array<i32>} : memref<3x200x128xf32, #tpu.memory_space<vmem>>, vector<1x1x16xf32>,
        %parallel_loop3A_766 = vector.shape_cast %parallel_loop3A_765 : vector<1x1x16xf32> to vector<16xf32>
        %parallel_loop3A_767 = arith.addf %parallel_loop3A_747, %parallel_loop3A_766 : vector<16xf32>
        %parallel_loop3A_768 = arith.constant 2 : i32
        %parallel_loop3A_769 = arith.index_cast %parallel_loop3A_768 : i32 to index
        %parallel_loop3A_770 = arith.index_cast %parallel_loop3A_745 : i32 to index
        %parallel_loop3A_771 = arith.constant 32 : index
        %parallel_loop3A_772 = tpu.vector_load %arg6[%parallel_loop3A_769, %parallel_loop3A_770, %parallel_loop3A_771] {strides = array<i32>} : memref<3x200x128xf32, #tpu.memory_space<vmem>>, vector<1x1x16xf32>,
        %parallel_loop3A_773 = vector.shape_cast %parallel_loop3A_772 : vector<1x1x16xf32> to vector<16xf32>
        %parallel_loop3A_774 = arith.addf %parallel_loop3A_748, %parallel_loop3A_773 : vector<16xf32>
        %parallel_loop3A_775 = arith.constant 2 : i32
        %parallel_loop3A_776 = arith.index_cast %parallel_loop3A_775 : i32 to index
        %parallel_loop3A_777 = arith.index_cast %parallel_loop3A_745 : i32 to index
        %parallel_loop3A_778 = arith.constant 48 : index
        %parallel_loop3A_779 = tpu.vector_load %arg6[%parallel_loop3A_776, %parallel_loop3A_777, %parallel_loop3A_778] {strides = array<i32>} : memref<3x200x128xf32, #tpu.memory_space<vmem>>, vector<1x1x16xf32>,
        %parallel_loop3A_780 = vector.shape_cast %parallel_loop3A_779 : vector<1x1x16xf32> to vector<16xf32>
        %parallel_loop3A_781 = arith.addf %parallel_loop3A_749, %parallel_loop3A_780 : vector<16xf32>
        %parallel_loop3A_782 = arith.constant 2 : i32
        %parallel_loop3A_783 = arith.index_cast %parallel_loop3A_782 : i32 to index
        %parallel_loop3A_784 = arith.index_cast %parallel_loop3A_745 : i32 to index
        %parallel_loop3A_785 = arith.constant 64 : index
        %parallel_loop3A_786 = tpu.vector_load %arg6[%parallel_loop3A_783, %parallel_loop3A_784, %parallel_loop3A_785] {strides = array<i32>} : memref<3x200x128xf32, #tpu.memory_space<vmem>>, vector<1x1x16xf32>,
        %parallel_loop3A_787 = vector.shape_cast %parallel_loop3A_786 : vector<1x1x16xf32> to vector<16xf32>
        %parallel_loop3A_788 = arith.addf %parallel_loop3A_750, %parallel_loop3A_787 : vector<16xf32>
        %parallel_loop3A_789 = arith.constant 2 : i32
        %parallel_loop3A_790 = arith.index_cast %parallel_loop3A_789 : i32 to index
        %parallel_loop3A_791 = arith.index_cast %parallel_loop3A_745 : i32 to index
        %parallel_loop3A_792 = arith.constant 80 : index
        %parallel_loop3A_793 = tpu.vector_load %arg6[%parallel_loop3A_790, %parallel_loop3A_791, %parallel_loop3A_792] {strides = array<i32>} : memref<3x200x128xf32, #tpu.memory_space<vmem>>, vector<1x1x16xf32>,
        %parallel_loop3A_794 = vector.shape_cast %parallel_loop3A_793 : vector<1x1x16xf32> to vector<16xf32>
        %parallel_loop3A_795 = arith.addf %parallel_loop3A_751, %parallel_loop3A_794 : vector<16xf32>
        %parallel_loop3A_796 = arith.constant 2 : i32
        %parallel_loop3A_797 = arith.index_cast %parallel_loop3A_796 : i32 to index
        %parallel_loop3A_798 = arith.index_cast %parallel_loop3A_745 : i32 to index
        %parallel_loop3A_799 = arith.constant 96 : index
        %parallel_loop3A_800 = tpu.vector_load %arg6[%parallel_loop3A_797, %parallel_loop3A_798, %parallel_loop3A_799] {strides = array<i32>} : memref<3x200x128xf32, #tpu.memory_space<vmem>>, vector<1x1x16xf32>,
        %parallel_loop3A_801 = vector.shape_cast %parallel_loop3A_800 : vector<1x1x16xf32> to vector<16xf32>
        %parallel_loop3A_802 = arith.addf %parallel_loop3A_752, %parallel_loop3A_801 : vector<16xf32>
        %parallel_loop3A_803 = arith.constant 2 : i32
        %parallel_loop3A_804 = arith.index_cast %parallel_loop3A_803 : i32 to index
        %parallel_loop3A_805 = arith.index_cast %parallel_loop3A_745 : i32 to index
        %parallel_loop3A_806 = arith.constant 112 : index
        %parallel_loop3A_807 = tpu.vector_load %arg6[%parallel_loop3A_804, %parallel_loop3A_805, %parallel_loop3A_806] {strides = array<i32>} : memref<3x200x128xf32, #tpu.memory_space<vmem>>, vector<1x1x16xf32>,
        %parallel_loop3A_808 = vector.shape_cast %parallel_loop3A_807 : vector<1x1x16xf32> to vector<16xf32>
        %parallel_loop3A_809 = arith.addf %parallel_loop3A_753, %parallel_loop3A_808 : vector<16xf32>
        scf.yield %parallel_loop3A_760, %parallel_loop3A_767, %parallel_loop3A_774, %parallel_loop3A_781, %parallel_loop3A_788, %parallel_loop3A_795, %parallel_loop3A_802, %parallel_loop3A_809 : vector<16xf32>, vector<16xf32>, vector<16xf32>, vector<16xf32>, vector<16xf32>, vector<16xf32>, vector<16xf32>, vector<16xf32>
      } {sc.loop_unroll_factor = 4 : i64, sc.parallel_access}
      %mul3A_680 = arith.constant 5.000000e-03 : f32
      %mul3A_681 = vector.broadcast %mul3A_680 : f32 to vector<16xf32>
      %mul3A_682 = arith.mulf %parallel_loop3A_679#0, %mul3A_681 : vector<16xf32>
      %swap3A_683 = arith.index_cast %add3A_659 : i32 to index
      %swap3A_684 = arith.constant 0 : index
      %swap3A_685 = tpu.vector_load %arg7[%swap3A_683, %swap3A_684] {strides = array<i32>} : memref<128x128xf32, #tpu.memory_space<vmem>>, vector<1x16xf32>,
      %swap3A_686 = vector.shape_cast %swap3A_685 : vector<1x16xf32> to vector<16xf32>
      %swap3A_687 = vector.shape_cast %mul3A_682 : vector<16xf32> to vector<1x16xf32>
      tpu.vector_store %arg7[%swap3A_683, %swap3A_684], %swap3A_687 {strides = array<i32>} : memref<128x128xf32, #tpu.memory_space<vmem>>, vector<1x16xf32>,
      %mul3A_688 = arith.constant 5.000000e-03 : f32
      %mul3A_689 = vector.broadcast %mul3A_688 : f32 to vector<16xf32>
      %mul3A_690 = arith.mulf %parallel_loop3A_679#1, %mul3A_689 : vector<16xf32>
      %swap3A_691 = arith.index_cast %add3A_659 : i32 to index
      %swap3A_692 = arith.constant 16 : index
      %swap3A_693 = tpu.vector_load %arg7[%swap3A_691, %swap3A_692] {strides = array<i32>} : memref<128x128xf32, #tpu.memory_space<vmem>>, vector<1x16xf32>,
      %swap3A_694 = vector.shape_cast %swap3A_693 : vector<1x16xf32> to vector<16xf32>
      %swap3A_695 = vector.shape_cast %mul3A_690 : vector<16xf32> to vector<1x16xf32>
      tpu.vector_store %arg7[%swap3A_691, %swap3A_692], %swap3A_695 {strides = array<i32>} : memref<128x128xf32, #tpu.memory_space<vmem>>, vector<1x16xf32>,
      %mul3A_696 = arith.constant 5.000000e-03 : f32
      %mul3A_697 = vector.broadcast %mul3A_696 : f32 to vector<16xf32>
      %mul3A_698 = arith.mulf %parallel_loop3A_679#2, %mul3A_697 : vector<16xf32>
      %swap3A_699 = arith.index_cast %add3A_659 : i32 to index
      %swap3A_700 = arith.constant 32 : index
      %swap3A_701 = tpu.vector_load %arg7[%swap3A_699, %swap3A_700] {strides = array<i32>} : memref<128x128xf32, #tpu.memory_space<vmem>>, vector<1x16xf32>,
      %swap3A_702 = vector.shape_cast %swap3A_701 : vector<1x16xf32> to vector<16xf32>
      %swap3A_703 = vector.shape_cast %mul3A_698 : vector<16xf32> to vector<1x16xf32>
      tpu.vector_store %arg7[%swap3A_699, %swap3A_700], %swap3A_703 {strides = array<i32>} : memref<128x128xf32, #tpu.memory_space<vmem>>, vector<1x16xf32>,
      %mul3A_704 = arith.constant 5.000000e-03 : f32
      %mul3A_705 = vector.broadcast %mul3A_704 : f32 to vector<16xf32>
      %mul3A_706 = arith.mulf %parallel_loop3A_679#3, %mul3A_705 : vector<16xf32>
      %swap3A_707 = arith.index_cast %add3A_659 : i32 to index
      %swap3A_708 = arith.constant 48 : index
      %swap3A_709 = tpu.vector_load %arg7[%swap3A_707, %swap3A_708] {strides = array<i32>} : memref<128x128xf32, #tpu.memory_space<vmem>>, vector<1x16xf32>,
      %swap3A_710 = vector.shape_cast %swap3A_709 : vector<1x16xf32> to vector<16xf32>
      %swap3A_711 = vector.shape_cast %mul3A_706 : vector<16xf32> to vector<1x16xf32>
      tpu.vector_store %arg7[%swap3A_707, %swap3A_708], %swap3A_711 {strides = array<i32>} : memref<128x128xf32, #tpu.memory_space<vmem>>, vector<1x16xf32>,
      %mul3A_712 = arith.constant 5.000000e-03 : f32
      %mul3A_713 = vector.broadcast %mul3A_712 : f32 to vector<16xf32>
      %mul3A_714 = arith.mulf %parallel_loop3A_679#4, %mul3A_713 : vector<16xf32>
      %swap3A_715 = arith.index_cast %add3A_659 : i32 to index
      %swap3A_716 = arith.constant 64 : index
      %swap3A_717 = tpu.vector_load %arg7[%swap3A_715, %swap3A_716] {strides = array<i32>} : memref<128x128xf32, #tpu.memory_space<vmem>>, vector<1x16xf32>,
      %swap3A_718 = vector.shape_cast %swap3A_717 : vector<1x16xf32> to vector<16xf32>
      %swap3A_719 = vector.shape_cast %mul3A_714 : vector<16xf32> to vector<1x16xf32>
      tpu.vector_store %arg7[%swap3A_715, %swap3A_716], %swap3A_719 {strides = array<i32>} : memref<128x128xf32, #tpu.memory_space<vmem>>, vector<1x16xf32>,
      %mul3A_720 = arith.constant 5.000000e-03 : f32
      %mul3A_721 = vector.broadcast %mul3A_720 : f32 to vector<16xf32>
      %mul3A_722 = arith.mulf %parallel_loop3A_679#5, %mul3A_721 : vector<16xf32>
      %swap3A_723 = arith.index_cast %add3A_659 : i32 to index
      %swap3A_724 = arith.constant 80 : index
      %swap3A_725 = tpu.vector_load %arg7[%swap3A_723, %swap3A_724] {strides = array<i32>} : memref<128x128xf32, #tpu.memory_space<vmem>>, vector<1x16xf32>,
      %swap3A_726 = vector.shape_cast %swap3A_725 : vector<1x16xf32> to vector<16xf32>
      %swap3A_727 = vector.shape_cast %mul3A_722 : vector<16xf32> to vector<1x16xf32>
      tpu.vector_store %arg7[%swap3A_723, %swap3A_724], %swap3A_727 {strides = array<i32>} : memref<128x128xf32, #tpu.memory_space<vmem>>, vector<1x16xf32>,
      %mul3A_728 = arith.constant 5.000000e-03 : f32
      %mul3A_729 = vector.broadcast %mul3A_728 : f32 to vector<16xf32>
      %mul3A_730 = arith.mulf %parallel_loop3A_679#6, %mul3A_729 : vector<16xf32>
      %swap3A_731 = arith.index_cast %add3A_659 : i32 to index
      %swap3A_732 = arith.constant 96 : index
      %swap3A_733 = tpu.vector_load %arg7[%swap3A_731, %swap3A_732] {strides = array<i32>} : memref<128x128xf32, #tpu.memory_space<vmem>>, vector<1x16xf32>,
      %swap3A_734 = vector.shape_cast %swap3A_733 : vector<1x16xf32> to vector<16xf32>
      %swap3A_735 = vector.shape_cast %mul3A_730 : vector<16xf32> to vector<1x16xf32>
      tpu.vector_store %arg7[%swap3A_731, %swap3A_732], %swap3A_735 {strides = array<i32>} : memref<128x128xf32, #tpu.memory_space<vmem>>, vector<1x16xf32>,
      %mul3A_736 = arith.constant 5.000000e-03 : f32
      %mul3A_737 = vector.broadcast %mul3A_736 : f32 to vector<16xf32>
      %mul3A_738 = arith.mulf %parallel_loop3A_679#7, %mul3A_737 : vector<16xf32>
      %swap3A_739 = arith.index_cast %add3A_659 : i32 to index
      %swap3A_740 = arith.constant 112 : index
      %swap3A_741 = tpu.vector_load %arg7[%swap3A_739, %swap3A_740] {strides = array<i32>} : memref<128x128xf32, #tpu.memory_space<vmem>>, vector<1x16xf32>,
      %swap3A_742 = vector.shape_cast %swap3A_741 : vector<1x16xf32> to vector<16xf32>
      %swap3A_743 = vector.shape_cast %mul3A_738 : vector<16xf32> to vector<1x16xf32>
      tpu.vector_store %arg7[%swap3A_739, %swap3A_740], %swap3A_743 {strides = array<i32>} : memref<128x128xf32, #tpu.memory_space<vmem>>, vector<1x16xf32>,
      %scan3A_744 = arith.constant 0 : i32
      scf.yield %scan3A_744 : i32
    }
    %scan3A_57 = arith.constant 42 : i32
    %dma_wait3A = arith.constant 0 : i32
    %dma_wait3A_58 = arith.constant 0 : i32
    %dma_wait3A_59 = arith.constant 0 : i32
    %dma_wait3A_60 = tpu.memref_slice %arg6[%dma_wait3A, %dma_wait3A_58, %dma_wait3A_59] : memref<3x200x128xf32, #tpu.memory_space<vmem>> -> memref<1x128x128xf32, #tpu.memory_space<vmem>>
    %dma_wait3A_61 = tpu.memref_squeeze %dma_wait3A_60 : memref<1x128x128xf32, #tpu.memory_space<vmem>> -> memref<128x128xf32, #tpu.memory_space<vmem>>
    %dma_wait3A_62 = arith.constant 0 : i32
    %dma_wait3A_63 = arith.constant 0 : i32
    %dma_wait3A_64 = tpu.memref_slice %arg3[%dma_wait3A_62, %dma_wait3A_63] : memref<1000000x128xf32, #tpu.memory_space<hbm>> -> memref<128x128xf32, #tpu.memory_space<hbm>>
    %dma_wait3A_65 = arith.constant 0 : i32
    %dma_wait3A_66 = arith.constant 0 : i32
    %dma_wait3A_67 = tpu.memref_slice %arg6[%dma_wait3A, %dma_wait3A_65, %dma_wait3A_66] : memref<3x200x128xf32, #tpu.memory_space<vmem>> -> memref<1x128x128xf32, #tpu.memory_space<vmem>>
    %dma_wait3A_68 = tpu.memref_squeeze %dma_wait3A_67 : memref<1x128x128xf32, #tpu.memory_space<vmem>> -> memref<128x128xf32, #tpu.memory_space<vmem>>
    %dma_wait3A_69 = arith.constant 0 : i32
    %dma_wait3A_70 = arith.constant 0 : i32
    %dma_wait3A_71 = tpu.memref_slice %arg3[%dma_wait3A_69, %dma_wait3A_70] : memref<1000000x128xf32, #tpu.memory_space<hbm>> -> memref<128x128xf32, #tpu.memory_space<hbm>>
    tpu.wait_dma2 semaphore(%arg8 : memref<!tpu.dma_semaphore, #tpu.memory_space<semaphore_mem>>) src(%dma_wait3A_71 : memref<128x128xf32, #tpu.memory_space<hbm>>) dst(%dma_wait3A_68 : memref<128x128xf32, #tpu.memory_space<vmem>>)
    %dma_wait3A_72 = arith.constant 0 : i32
    %dma_wait3A_73 = arith.constant 128 : i32
    %dma_wait3A_74 = arith.constant 0 : i32
    %dma_wait3A_75 = tpu.memref_slice %arg6[%dma_wait3A_72, %dma_wait3A_73, %dma_wait3A_74] : memref<3x200x128xf32, #tpu.memory_space<vmem>> -> memref<1x72x128xf32, #tpu.memory_space<vmem>>
    %dma_wait3A_76 = tpu.memref_squeeze %dma_wait3A_75 : memref<1x72x128xf32, #tpu.memory_space<vmem>> -> memref<72x128xf32, #tpu.memory_space<vmem>>
    %dma_wait3A_77 = arith.constant 0 : i32
    %dma_wait3A_78 = arith.constant 0 : i32
    %dma_wait3A_79 = tpu.memref_slice %arg3[%dma_wait3A_77, %dma_wait3A_78] : memref<1000000x128xf32, #tpu.memory_space<hbm>> -> memref<72x128xf32, #tpu.memory_space<hbm>>
    %dma_wait3A_80 = arith.constant 128 : i32
    %dma_wait3A_81 = arith.constant 0 : i32
    %dma_wait3A_82 = tpu.memref_slice %arg6[%dma_wait3A_72, %dma_wait3A_80, %dma_wait3A_81] : memref<3x200x128xf32, #tpu.memory_space<vmem>> -> memref<1x72x128xf32, #tpu.memory_space<vmem>>
    %dma_wait3A_83 = tpu.memref_squeeze %dma_wait3A_82 : memref<1x72x128xf32, #tpu.memory_space<vmem>> -> memref<72x128xf32, #tpu.memory_space<vmem>>
    %dma_wait3A_84 = arith.constant 0 : i32
    %dma_wait3A_85 = arith.constant 0 : i32
    %dma_wait3A_86 = tpu.memref_slice %arg3[%dma_wait3A_84, %dma_wait3A_85] : memref<1000000x128xf32, #tpu.memory_space<hbm>> -> memref<72x128xf32, #tpu.memory_space<hbm>>
    tpu.wait_dma2 semaphore(%arg8 : memref<!tpu.dma_semaphore, #tpu.memory_space<semaphore_mem>>) src(%dma_wait3A_86 : memref<72x128xf32, #tpu.memory_space<hbm>>) dst(%dma_wait3A_83 : memref<72x128xf32, #tpu.memory_space<vmem>>)
    %broadcast_in_dim3A = arith.constant 0.000000e+00 : f32
    %broadcast_in_dim3A_87 = vector.broadcast %broadcast_in_dim3A : f32 to vector<16xf32>
    %broadcast_in_dim3A_88 = arith.constant 0.000000e+00 : f32
    %broadcast_in_dim3A_89 = vector.broadcast %broadcast_in_dim3A_88 : f32 to vector<16xf32>
    %broadcast_in_dim3A_90 = arith.constant 0.000000e+00 : f32
    %broadcast_in_dim3A_91 = vector.broadcast %broadcast_in_dim3A_90 : f32 to vector<16xf32>
    %broadcast_in_dim3A_92 = arith.constant 0.000000e+00 : f32
    %broadcast_in_dim3A_93 = vector.broadcast %broadcast_in_dim3A_92 : f32 to vector<16xf32>
    %broadcast_in_dim3A_94 = arith.constant 0.000000e+00 : f32
    %broadcast_in_dim3A_95 = vector.broadcast %broadcast_in_dim3A_94 : f32 to vector<16xf32>
    %broadcast_in_dim3A_96 = arith.constant 0.000000e+00 : f32
    %broadcast_in_dim3A_97 = vector.broadcast %broadcast_in_dim3A_96 : f32 to vector<16xf32>
    %broadcast_in_dim3A_98 = arith.constant 0.000000e+00 : f32
    %broadcast_in_dim3A_99 = vector.broadcast %broadcast_in_dim3A_98 : f32 to vector<16xf32>
    %broadcast_in_dim3A_100 = arith.constant 0.000000e+00 : f32
    %broadcast_in_dim3A_101 = vector.broadcast %broadcast_in_dim3A_100 : f32 to vector<16xf32>
    %parallel_loop3A = arith.constant 0 : i32
    %parallel_loop3A_102 = arith.constant 200 : i32
    %parallel_loop3A_103 = arith.constant 1 : i32
    %parallel_loop3A_104:8 = scf.for %parallel_loop3A_298 = %parallel_loop3A to %parallel_loop3A_102 step %parallel_loop3A_103 iter_args(%parallel_loop3A_299 = %broadcast_in_dim3A_87, %parallel_loop3A_300 = %broadcast_in_dim3A_89, %parallel_loop3A_301 = %broadcast_in_dim3A_91, %parallel_loop3A_302 = %broadcast_in_dim3A_93, %parallel_loop3A_303 = %broadcast_in_dim3A_95, %parallel_loop3A_304 = %broadcast_in_dim3A_97, %parallel_loop3A_305 = %broadcast_in_dim3A_99, %parallel_loop3A_306 = %broadcast_in_dim3A_101) -> (vector<16xf32>, vector<16xf32>, vector<16xf32>, vector<16xf32>, vector<16xf32>, vector<16xf32>, vector<16xf32>, vector<16xf32>)  : i32 {
      %parallel_loop3A_307 = arith.constant 0 : i32
      %parallel_loop3A_308 = arith.index_cast %parallel_loop3A_307 : i32 to index
      %parallel_loop3A_309 = arith.index_cast %parallel_loop3A_298 : i32 to index
      %parallel_loop3A_310 = arith.constant 0 : index
      %parallel_loop3A_311 = tpu.vector_load %arg6[%parallel_loop3A_308, %parallel_loop3A_309, %parallel_loop3A_310] {strides = array<i32>} : memref<3x200x128xf32, #tpu.memory_space<vmem>>, vector<1x1x16xf32>,
      %parallel_loop3A_312 = vector.shape_cast %parallel_loop3A_311 : vector<1x1x16xf32> to vector<16xf32>
      %parallel_loop3A_313 = arith.addf %parallel_loop3A_299, %parallel_loop3A_312 : vector<16xf32>
      %parallel_loop3A_314 = arith.constant 0 : i32
      %parallel_loop3A_315 = arith.index_cast %parallel_loop3A_314 : i32 to index
      %parallel_loop3A_316 = arith.index_cast %parallel_loop3A_298 : i32 to index
      %parallel_loop3A_317 = arith.constant 16 : index
      %parallel_loop3A_318 = tpu.vector_load %arg6[%parallel_loop3A_315, %parallel_loop3A_316, %parallel_loop3A_317] {strides = array<i32>} : memref<3x200x128xf32, #tpu.memory_space<vmem>>, vector<1x1x16xf32>,
      %parallel_loop3A_319 = vector.shape_cast %parallel_loop3A_318 : vector<1x1x16xf32> to vector<16xf32>
      %parallel_loop3A_320 = arith.addf %parallel_loop3A_300, %parallel_loop3A_319 : vector<16xf32>
      %parallel_loop3A_321 = arith.constant 0 : i32
      %parallel_loop3A_322 = arith.index_cast %parallel_loop3A_321 : i32 to index
      %parallel_loop3A_323 = arith.index_cast %parallel_loop3A_298 : i32 to index
      %parallel_loop3A_324 = arith.constant 32 : index
      %parallel_loop3A_325 = tpu.vector_load %arg6[%parallel_loop3A_322, %parallel_loop3A_323, %parallel_loop3A_324] {strides = array<i32>} : memref<3x200x128xf32, #tpu.memory_space<vmem>>, vector<1x1x16xf32>,
      %parallel_loop3A_326 = vector.shape_cast %parallel_loop3A_325 : vector<1x1x16xf32> to vector<16xf32>
      %parallel_loop3A_327 = arith.addf %parallel_loop3A_301, %parallel_loop3A_326 : vector<16xf32>
      %parallel_loop3A_328 = arith.constant 0 : i32
      %parallel_loop3A_329 = arith.index_cast %parallel_loop3A_328 : i32 to index
      %parallel_loop3A_330 = arith.index_cast %parallel_loop3A_298 : i32 to index
      %parallel_loop3A_331 = arith.constant 48 : index
      %parallel_loop3A_332 = tpu.vector_load %arg6[%parallel_loop3A_329, %parallel_loop3A_330, %parallel_loop3A_331] {strides = array<i32>} : memref<3x200x128xf32, #tpu.memory_space<vmem>>, vector<1x1x16xf32>,
      %parallel_loop3A_333 = vector.shape_cast %parallel_loop3A_332 : vector<1x1x16xf32> to vector<16xf32>
      %parallel_loop3A_334 = arith.addf %parallel_loop3A_302, %parallel_loop3A_333 : vector<16xf32>
      %parallel_loop3A_335 = arith.constant 0 : i32
      %parallel_loop3A_336 = arith.index_cast %parallel_loop3A_335 : i32 to index
      %parallel_loop3A_337 = arith.index_cast %parallel_loop3A_298 : i32 to index
      %parallel_loop3A_338 = arith.constant 64 : index
      %parallel_loop3A_339 = tpu.vector_load %arg6[%parallel_loop3A_336, %parallel_loop3A_337, %parallel_loop3A_338] {strides = array<i32>} : memref<3x200x128xf32, #tpu.memory_space<vmem>>, vector<1x1x16xf32>,
      %parallel_loop3A_340 = vector.shape_cast %parallel_loop3A_339 : vector<1x1x16xf32> to vector<16xf32>
      %parallel_loop3A_341 = arith.addf %parallel_loop3A_303, %parallel_loop3A_340 : vector<16xf32>
      %parallel_loop3A_342 = arith.constant 0 : i32
      %parallel_loop3A_343 = arith.index_cast %parallel_loop3A_342 : i32 to index
      %parallel_loop3A_344 = arith.index_cast %parallel_loop3A_298 : i32 to index
      %parallel_loop3A_345 = arith.constant 80 : index
      %parallel_loop3A_346 = tpu.vector_load %arg6[%parallel_loop3A_343, %parallel_loop3A_344, %parallel_loop3A_345] {strides = array<i32>} : memref<3x200x128xf32, #tpu.memory_space<vmem>>, vector<1x1x16xf32>,
      %parallel_loop3A_347 = vector.shape_cast %parallel_loop3A_346 : vector<1x1x16xf32> to vector<16xf32>
      %parallel_loop3A_348 = arith.addf %parallel_loop3A_304, %parallel_loop3A_347 : vector<16xf32>
      %parallel_loop3A_349 = arith.constant 0 : i32
      %parallel_loop3A_350 = arith.index_cast %parallel_loop3A_349 : i32 to index
      %parallel_loop3A_351 = arith.index_cast %parallel_loop3A_298 : i32 to index
      %parallel_loop3A_352 = arith.constant 96 : index
      %parallel_loop3A_353 = tpu.vector_load %arg6[%parallel_loop3A_350, %parallel_loop3A_351, %parallel_loop3A_352] {strides = array<i32>} : memref<3x200x128xf32, #tpu.memory_space<vmem>>, vector<1x1x16xf32>,
      %parallel_loop3A_354 = vector.shape_cast %parallel_loop3A_353 : vector<1x1x16xf32> to vector<16xf32>
      %parallel_loop3A_355 = arith.addf %parallel_loop3A_305, %parallel_loop3A_354 : vector<16xf32>
      %parallel_loop3A_356 = arith.constant 0 : i32
      %parallel_loop3A_357 = arith.index_cast %parallel_loop3A_356 : i32 to index
      %parallel_loop3A_358 = arith.index_cast %parallel_loop3A_298 : i32 to index
      %parallel_loop3A_359 = arith.constant 112 : index
      %parallel_loop3A_360 = tpu.vector_load %arg6[%parallel_loop3A_357, %parallel_loop3A_358, %parallel_loop3A_359] {strides = array<i32>} : memref<3x200x128xf32, #tpu.memory_space<vmem>>, vector<1x1x16xf32>,
      %parallel_loop3A_361 = vector.shape_cast %parallel_loop3A_360 : vector<1x1x16xf32> to vector<16xf32>
      %parallel_loop3A_362 = arith.addf %parallel_loop3A_306, %parallel_loop3A_361 : vector<16xf32>
      scf.yield %parallel_loop3A_313, %parallel_loop3A_320, %parallel_loop3A_327, %parallel_loop3A_334, %parallel_loop3A_341, %parallel_loop3A_348, %parallel_loop3A_355, %parallel_loop3A_362 : vector<16xf32>, vector<16xf32>, vector<16xf32>, vector<16xf32>, vector<16xf32>, vector<16xf32>, vector<16xf32>, vector<16xf32>
    } {sc.loop_unroll_factor = 4 : i64, sc.parallel_access}
    %mul3A_105 = arith.constant 5.000000e-03 : f32
    %mul3A_106 = vector.broadcast %mul3A_105 : f32 to vector<16xf32>
    %mul3A_107 = arith.mulf %parallel_loop3A_104#0, %mul3A_106 : vector<16xf32>
    %swap3A = arith.constant 126 : i32
    %swap3A_108 = arith.index_cast %swap3A : i32 to index
    %swap3A_109 = arith.constant 0 : index
    %swap3A_110 = tpu.vector_load %arg7[%swap3A_108, %swap3A_109] {strides = array<i32>} : memref<128x128xf32, #tpu.memory_space<vmem>>, vector<1x16xf32>,
    %swap3A_111 = vector.shape_cast %swap3A_110 : vector<1x16xf32> to vector<16xf32>
    %swap3A_112 = vector.shape_cast %mul3A_107 : vector<16xf32> to vector<1x16xf32>
    tpu.vector_store %arg7[%swap3A_108, %swap3A_109], %swap3A_112 {strides = array<i32>} : memref<128x128xf32, #tpu.memory_space<vmem>>, vector<1x16xf32>,
    %mul3A_113 = arith.constant 5.000000e-03 : f32
    %mul3A_114 = vector.broadcast %mul3A_113 : f32 to vector<16xf32>
    %mul3A_115 = arith.mulf %parallel_loop3A_104#1, %mul3A_114 : vector<16xf32>
    %swap3A_116 = arith.constant 126 : i32
    %swap3A_117 = arith.index_cast %swap3A_116 : i32 to index
    %swap3A_118 = arith.constant 16 : index
    %swap3A_119 = tpu.vector_load %arg7[%swap3A_117, %swap3A_118] {strides = array<i32>} : memref<128x128xf32, #tpu.memory_space<vmem>>, vector<1x16xf32>,
    %swap3A_120 = vector.shape_cast %swap3A_119 : vector<1x16xf32> to vector<16xf32>
    %swap3A_121 = vector.shape_cast %mul3A_115 : vector<16xf32> to vector<1x16xf32>
    tpu.vector_store %arg7[%swap3A_117, %swap3A_118], %swap3A_121 {strides = array<i32>} : memref<128x128xf32, #tpu.memory_space<vmem>>, vector<1x16xf32>,
    %mul3A_122 = arith.constant 5.000000e-03 : f32
    %mul3A_123 = vector.broadcast %mul3A_122 : f32 to vector<16xf32>
    %mul3A_124 = arith.mulf %parallel_loop3A_104#2, %mul3A_123 : vector<16xf32>
    %swap3A_125 = arith.constant 126 : i32
    %swap3A_126 = arith.index_cast %swap3A_125 : i32 to index
    %swap3A_127 = arith.constant 32 : index
    %swap3A_128 = tpu.vector_load %arg7[%swap3A_126, %swap3A_127] {strides = array<i32>} : memref<128x128xf32, #tpu.memory_space<vmem>>, vector<1x16xf32>,
    %swap3A_129 = vector.shape_cast %swap3A_128 : vector<1x16xf32> to vector<16xf32>
    %swap3A_130 = vector.shape_cast %mul3A_124 : vector<16xf32> to vector<1x16xf32>
    tpu.vector_store %arg7[%swap3A_126, %swap3A_127], %swap3A_130 {strides = array<i32>} : memref<128x128xf32, #tpu.memory_space<vmem>>, vector<1x16xf32>,
    %mul3A_131 = arith.constant 5.000000e-03 : f32
    %mul3A_132 = vector.broadcast %mul3A_131 : f32 to vector<16xf32>
    %mul3A_133 = arith.mulf %parallel_loop3A_104#3, %mul3A_132 : vector<16xf32>
    %swap3A_134 = arith.constant 126 : i32
    %swap3A_135 = arith.index_cast %swap3A_134 : i32 to index
    %swap3A_136 = arith.constant 48 : index
    %swap3A_137 = tpu.vector_load %arg7[%swap3A_135, %swap3A_136] {strides = array<i32>} : memref<128x128xf32, #tpu.memory_space<vmem>>, vector<1x16xf32>,
    %swap3A_138 = vector.shape_cast %swap3A_137 : vector<1x16xf32> to vector<16xf32>
    %swap3A_139 = vector.shape_cast %mul3A_133 : vector<16xf32> to vector<1x16xf32>
    tpu.vector_store %arg7[%swap3A_135, %swap3A_136], %swap3A_139 {strides = array<i32>} : memref<128x128xf32, #tpu.memory_space<vmem>>, vector<1x16xf32>,
    %mul3A_140 = arith.constant 5.000000e-03 : f32
    %mul3A_141 = vector.broadcast %mul3A_140 : f32 to vector<16xf32>
    %mul3A_142 = arith.mulf %parallel_loop3A_104#4, %mul3A_141 : vector<16xf32>
    %swap3A_143 = arith.constant 126 : i32
    %swap3A_144 = arith.index_cast %swap3A_143 : i32 to index
    %swap3A_145 = arith.constant 64 : index
    %swap3A_146 = tpu.vector_load %arg7[%swap3A_144, %swap3A_145] {strides = array<i32>} : memref<128x128xf32, #tpu.memory_space<vmem>>, vector<1x16xf32>,
    %swap3A_147 = vector.shape_cast %swap3A_146 : vector<1x16xf32> to vector<16xf32>
    %swap3A_148 = vector.shape_cast %mul3A_142 : vector<16xf32> to vector<1x16xf32>
    tpu.vector_store %arg7[%swap3A_144, %swap3A_145], %swap3A_148 {strides = array<i32>} : memref<128x128xf32, #tpu.memory_space<vmem>>, vector<1x16xf32>,
    %mul3A_149 = arith.constant 5.000000e-03 : f32
    %mul3A_150 = vector.broadcast %mul3A_149 : f32 to vector<16xf32>
    %mul3A_151 = arith.mulf %parallel_loop3A_104#5, %mul3A_150 : vector<16xf32>
    %swap3A_152 = arith.constant 126 : i32
    %swap3A_153 = arith.index_cast %swap3A_152 : i32 to index
    %swap3A_154 = arith.constant 80 : index
    %swap3A_155 = tpu.vector_load %arg7[%swap3A_153, %swap3A_154] {strides = array<i32>} : memref<128x128xf32, #tpu.memory_space<vmem>>, vector<1x16xf32>,
    %swap3A_156 = vector.shape_cast %swap3A_155 : vector<1x16xf32> to vector<16xf32>
    %swap3A_157 = vector.shape_cast %mul3A_151 : vector<16xf32> to vector<1x16xf32>
    tpu.vector_store %arg7[%swap3A_153, %swap3A_154], %swap3A_157 {strides = array<i32>} : memref<128x128xf32, #tpu.memory_space<vmem>>, vector<1x16xf32>,
    %mul3A_158 = arith.constant 5.000000e-03 : f32
    %mul3A_159 = vector.broadcast %mul3A_158 : f32 to vector<16xf32>
    %mul3A_160 = arith.mulf %parallel_loop3A_104#6, %mul3A_159 : vector<16xf32>
    %swap3A_161 = arith.constant 126 : i32
    %swap3A_162 = arith.index_cast %swap3A_161 : i32 to index
    %swap3A_163 = arith.constant 96 : index
    %swap3A_164 = tpu.vector_load %arg7[%swap3A_162, %swap3A_163] {strides = array<i32>} : memref<128x128xf32, #tpu.memory_space<vmem>>, vector<1x16xf32>,
    %swap3A_165 = vector.shape_cast %swap3A_164 : vector<1x16xf32> to vector<16xf32>
    %swap3A_166 = vector.shape_cast %mul3A_160 : vector<16xf32> to vector<1x16xf32>
    tpu.vector_store %arg7[%swap3A_162, %swap3A_163], %swap3A_166 {strides = array<i32>} : memref<128x128xf32, #tpu.memory_space<vmem>>, vector<1x16xf32>,
    %mul3A_167 = arith.constant 5.000000e-03 : f32
    %mul3A_168 = vector.broadcast %mul3A_167 : f32 to vector<16xf32>
    %mul3A_169 = arith.mulf %parallel_loop3A_104#7, %mul3A_168 : vector<16xf32>
    %swap3A_170 = arith.constant 126 : i32
    %swap3A_171 = arith.index_cast %swap3A_170 : i32 to index
    %swap3A_172 = arith.constant 112 : index
    %swap3A_173 = tpu.vector_load %arg7[%swap3A_171, %swap3A_172] {strides = array<i32>} : memref<128x128xf32, #tpu.memory_space<vmem>>, vector<1x16xf32>,
    %swap3A_174 = vector.shape_cast %swap3A_173 : vector<1x16xf32> to vector<16xf32>
    %swap3A_175 = vector.shape_cast %mul3A_169 : vector<16xf32> to vector<1x16xf32>
    tpu.vector_store %arg7[%swap3A_171, %swap3A_172], %swap3A_175 {strides = array<i32>} : memref<128x128xf32, #tpu.memory_space<vmem>>, vector<1x16xf32>,
    %dma_wait3A_176 = arith.constant 1 : i32
    %dma_wait3A_177 = arith.constant 0 : i32
    %dma_wait3A_178 = arith.constant 0 : i32
    %dma_wait3A_179 = tpu.memref_slice %arg6[%dma_wait3A_176, %dma_wait3A_177, %dma_wait3A_178] : memref<3x200x128xf32, #tpu.memory_space<vmem>> -> memref<1x128x128xf32, #tpu.memory_space<vmem>>
    %dma_wait3A_180 = tpu.memref_squeeze %dma_wait3A_179 : memref<1x128x128xf32, #tpu.memory_space<vmem>> -> memref<128x128xf32, #tpu.memory_space<vmem>>
    %dma_wait3A_181 = arith.constant 0 : i32
    %dma_wait3A_182 = arith.constant 0 : i32
    %dma_wait3A_183 = tpu.memref_slice %arg3[%dma_wait3A_181, %dma_wait3A_182] : memref<1000000x128xf32, #tpu.memory_space<hbm>> -> memref<128x128xf32, #tpu.memory_space<hbm>>
    %dma_wait3A_184 = arith.constant 0 : i32
    %dma_wait3A_185 = arith.constant 0 : i32
    %dma_wait3A_186 = tpu.memref_slice %arg6[%dma_wait3A_176, %dma_wait3A_184, %dma_wait3A_185] : memref<3x200x128xf32, #tpu.memory_space<vmem>> -> memref<1x128x128xf32, #tpu.memory_space<vmem>>
    %dma_wait3A_187 = tpu.memref_squeeze %dma_wait3A_186 : memref<1x128x128xf32, #tpu.memory_space<vmem>> -> memref<128x128xf32, #tpu.memory_space<vmem>>
    %dma_wait3A_188 = arith.constant 0 : i32
    %dma_wait3A_189 = arith.constant 0 : i32
    %dma_wait3A_190 = tpu.memref_slice %arg3[%dma_wait3A_188, %dma_wait3A_189] : memref<1000000x128xf32, #tpu.memory_space<hbm>> -> memref<128x128xf32, #tpu.memory_space<hbm>>
    tpu.wait_dma2 semaphore(%arg9 : memref<!tpu.dma_semaphore, #tpu.memory_space<semaphore_mem>>) src(%dma_wait3A_190 : memref<128x128xf32, #tpu.memory_space<hbm>>) dst(%dma_wait3A_187 : memref<128x128xf32, #tpu.memory_space<vmem>>)
    %dma_wait3A_191 = arith.constant 1 : i32
    %dma_wait3A_192 = arith.constant 128 : i32
    %dma_wait3A_193 = arith.constant 0 : i32
    %dma_wait3A_194 = tpu.memref_slice %arg6[%dma_wait3A_191, %dma_wait3A_192, %dma_wait3A_193] : memref<3x200x128xf32, #tpu.memory_space<vmem>> -> memref<1x72x128xf32, #tpu.memory_space<vmem>>
    %dma_wait3A_195 = tpu.memref_squeeze %dma_wait3A_194 : memref<1x72x128xf32, #tpu.memory_space<vmem>> -> memref<72x128xf32, #tpu.memory_space<vmem>>
    %dma_wait3A_196 = arith.constant 0 : i32
    %dma_wait3A_197 = arith.constant 0 : i32
    %dma_wait3A_198 = tpu.memref_slice %arg3[%dma_wait3A_196, %dma_wait3A_197] : memref<1000000x128xf32, #tpu.memory_space<hbm>> -> memref<72x128xf32, #tpu.memory_space<hbm>>
    %dma_wait3A_199 = arith.constant 128 : i32
    %dma_wait3A_200 = arith.constant 0 : i32
    %dma_wait3A_201 = tpu.memref_slice %arg6[%dma_wait3A_191, %dma_wait3A_199, %dma_wait3A_200] : memref<3x200x128xf32, #tpu.memory_space<vmem>> -> memref<1x72x128xf32, #tpu.memory_space<vmem>>
    %dma_wait3A_202 = tpu.memref_squeeze %dma_wait3A_201 : memref<1x72x128xf32, #tpu.memory_space<vmem>> -> memref<72x128xf32, #tpu.memory_space<vmem>>
    %dma_wait3A_203 = arith.constant 0 : i32
    %dma_wait3A_204 = arith.constant 0 : i32
    %dma_wait3A_205 = tpu.memref_slice %arg3[%dma_wait3A_203, %dma_wait3A_204] : memref<1000000x128xf32, #tpu.memory_space<hbm>> -> memref<72x128xf32, #tpu.memory_space<hbm>>
    tpu.wait_dma2 semaphore(%arg9 : memref<!tpu.dma_semaphore, #tpu.memory_space<semaphore_mem>>) src(%dma_wait3A_205 : memref<72x128xf32, #tpu.memory_space<hbm>>) dst(%dma_wait3A_202 : memref<72x128xf32, #tpu.memory_space<vmem>>)
    %broadcast_in_dim3A_206 = arith.constant 0.000000e+00 : f32
    %broadcast_in_dim3A_207 = vector.broadcast %broadcast_in_dim3A_206 : f32 to vector<16xf32>
    %broadcast_in_dim3A_208 = arith.constant 0.000000e+00 : f32
    %broadcast_in_dim3A_209 = vector.broadcast %broadcast_in_dim3A_208 : f32 to vector<16xf32>
    %broadcast_in_dim3A_210 = arith.constant 0.000000e+00 : f32
    %broadcast_in_dim3A_211 = vector.broadcast %broadcast_in_dim3A_210 : f32 to vector<16xf32>
    %broadcast_in_dim3A_212 = arith.constant 0.000000e+00 : f32
    %broadcast_in_dim3A_213 = vector.broadcast %broadcast_in_dim3A_212 : f32 to vector<16xf32>
    %broadcast_in_dim3A_214 = arith.constant 0.000000e+00 : f32
    %broadcast_in_dim3A_215 = vector.broadcast %broadcast_in_dim3A_214 : f32 to vector<16xf32>
    %broadcast_in_dim3A_216 = arith.constant 0.000000e+00 : f32
    %broadcast_in_dim3A_217 = vector.broadcast %broadcast_in_dim3A_216 : f32 to vector<16xf32>
    %broadcast_in_dim3A_218 = arith.constant 0.000000e+00 : f32
    %broadcast_in_dim3A_219 = vector.broadcast %broadcast_in_dim3A_218 : f32 to vector<16xf32>
    %broadcast_in_dim3A_220 = arith.constant 0.000000e+00 : f32
    %broadcast_in_dim3A_221 = vector.broadcast %broadcast_in_dim3A_220 : f32 to vector<16xf32>
    %parallel_loop3A_222 = arith.constant 0 : i32
    %parallel_loop3A_223 = arith.constant 200 : i32
    %parallel_loop3A_224 = arith.constant 1 : i32
    %parallel_loop3A_225:8 = scf.for %parallel_loop3A_298 = %parallel_loop3A_222 to %parallel_loop3A_223 step %parallel_loop3A_224 iter_args(%parallel_loop3A_299 = %broadcast_in_dim3A_207, %parallel_loop3A_300 = %broadcast_in_dim3A_209, %parallel_loop3A_301 = %broadcast_in_dim3A_211, %parallel_loop3A_302 = %broadcast_in_dim3A_213, %parallel_loop3A_303 = %broadcast_in_dim3A_215, %parallel_loop3A_304 = %broadcast_in_dim3A_217, %parallel_loop3A_305 = %broadcast_in_dim3A_219, %parallel_loop3A_306 = %broadcast_in_dim3A_221) -> (vector<16xf32>, vector<16xf32>, vector<16xf32>, vector<16xf32>, vector<16xf32>, vector<16xf32>, vector<16xf32>, vector<16xf32>)  : i32 {
      %parallel_loop3A_307 = arith.constant 1 : i32
      %parallel_loop3A_308 = arith.index_cast %parallel_loop3A_307 : i32 to index
      %parallel_loop3A_309 = arith.index_cast %parallel_loop3A_298 : i32 to index
      %parallel_loop3A_310 = arith.constant 0 : index
      %parallel_loop3A_311 = tpu.vector_load %arg6[%parallel_loop3A_308, %parallel_loop3A_309, %parallel_loop3A_310] {strides = array<i32>} : memref<3x200x128xf32, #tpu.memory_space<vmem>>, vector<1x1x16xf32>,
      %parallel_loop3A_312 = vector.shape_cast %parallel_loop3A_311 : vector<1x1x16xf32> to vector<16xf32>
      %parallel_loop3A_313 = arith.addf %parallel_loop3A_299, %parallel_loop3A_312 : vector<16xf32>
      %parallel_loop3A_314 = arith.constant 1 : i32
      %parallel_loop3A_315 = arith.index_cast %parallel_loop3A_314 : i32 to index
      %parallel_loop3A_316 = arith.index_cast %parallel_loop3A_298 : i32 to index
      %parallel_loop3A_317 = arith.constant 16 : index
      %parallel_loop3A_318 = tpu.vector_load %arg6[%parallel_loop3A_315, %parallel_loop3A_316, %parallel_loop3A_317] {strides = array<i32>} : memref<3x200x128xf32, #tpu.memory_space<vmem>>, vector<1x1x16xf32>,
      %parallel_loop3A_319 = vector.shape_cast %parallel_loop3A_318 : vector<1x1x16xf32> to vector<16xf32>
      %parallel_loop3A_320 = arith.addf %parallel_loop3A_300, %parallel_loop3A_319 : vector<16xf32>
      %parallel_loop3A_321 = arith.constant 1 : i32
      %parallel_loop3A_322 = arith.index_cast %parallel_loop3A_321 : i32 to index
      %parallel_loop3A_323 = arith.index_cast %parallel_loop3A_298 : i32 to index
      %parallel_loop3A_324 = arith.constant 32 : index
      %parallel_loop3A_325 = tpu.vector_load %arg6[%parallel_loop3A_322, %parallel_loop3A_323, %parallel_loop3A_324] {strides = array<i32>} : memref<3x200x128xf32, #tpu.memory_space<vmem>>, vector<1x1x16xf32>,
      %parallel_loop3A_326 = vector.shape_cast %parallel_loop3A_325 : vector<1x1x16xf32> to vector<16xf32>
      %parallel_loop3A_327 = arith.addf %parallel_loop3A_301, %parallel_loop3A_326 : vector<16xf32>
      %parallel_loop3A_328 = arith.constant 1 : i32
      %parallel_loop3A_329 = arith.index_cast %parallel_loop3A_328 : i32 to index
      %parallel_loop3A_330 = arith.index_cast %parallel_loop3A_298 : i32 to index
      %parallel_loop3A_331 = arith.constant 48 : index
      %parallel_loop3A_332 = tpu.vector_load %arg6[%parallel_loop3A_329, %parallel_loop3A_330, %parallel_loop3A_331] {strides = array<i32>} : memref<3x200x128xf32, #tpu.memory_space<vmem>>, vector<1x1x16xf32>,
      %parallel_loop3A_333 = vector.shape_cast %parallel_loop3A_332 : vector<1x1x16xf32> to vector<16xf32>
      %parallel_loop3A_334 = arith.addf %parallel_loop3A_302, %parallel_loop3A_333 : vector<16xf32>
      %parallel_loop3A_335 = arith.constant 1 : i32
      %parallel_loop3A_336 = arith.index_cast %parallel_loop3A_335 : i32 to index
      %parallel_loop3A_337 = arith.index_cast %parallel_loop3A_298 : i32 to index
      %parallel_loop3A_338 = arith.constant 64 : index
      %parallel_loop3A_339 = tpu.vector_load %arg6[%parallel_loop3A_336, %parallel_loop3A_337, %parallel_loop3A_338] {strides = array<i32>} : memref<3x200x128xf32, #tpu.memory_space<vmem>>, vector<1x1x16xf32>,
      %parallel_loop3A_340 = vector.shape_cast %parallel_loop3A_339 : vector<1x1x16xf32> to vector<16xf32>
      %parallel_loop3A_341 = arith.addf %parallel_loop3A_303, %parallel_loop3A_340 : vector<16xf32>
      %parallel_loop3A_342 = arith.constant 1 : i32
      %parallel_loop3A_343 = arith.index_cast %parallel_loop3A_342 : i32 to index
      %parallel_loop3A_344 = arith.index_cast %parallel_loop3A_298 : i32 to index
      %parallel_loop3A_345 = arith.constant 80 : index
      %parallel_loop3A_346 = tpu.vector_load %arg6[%parallel_loop3A_343, %parallel_loop3A_344, %parallel_loop3A_345] {strides = array<i32>} : memref<3x200x128xf32, #tpu.memory_space<vmem>>, vector<1x1x16xf32>,
      %parallel_loop3A_347 = vector.shape_cast %parallel_loop3A_346 : vector<1x1x16xf32> to vector<16xf32>
      %parallel_loop3A_348 = arith.addf %parallel_loop3A_304, %parallel_loop3A_347 : vector<16xf32>
      %parallel_loop3A_349 = arith.constant 1 : i32
      %parallel_loop3A_350 = arith.index_cast %parallel_loop3A_349 : i32 to index
      %parallel_loop3A_351 = arith.index_cast %parallel_loop3A_298 : i32 to index
      %parallel_loop3A_352 = arith.constant 96 : index
      %parallel_loop3A_353 = tpu.vector_load %arg6[%parallel_loop3A_350, %parallel_loop3A_351, %parallel_loop3A_352] {strides = array<i32>} : memref<3x200x128xf32, #tpu.memory_space<vmem>>, vector<1x1x16xf32>,
      %parallel_loop3A_354 = vector.shape_cast %parallel_loop3A_353 : vector<1x1x16xf32> to vector<16xf32>
      %parallel_loop3A_355 = arith.addf %parallel_loop3A_305, %parallel_loop3A_354 : vector<16xf32>
      %parallel_loop3A_356 = arith.constant 1 : i32
      %parallel_loop3A_357 = arith.index_cast %parallel_loop3A_356 : i32 to index
      %parallel_loop3A_358 = arith.index_cast %parallel_loop3A_298 : i32 to index
      %parallel_loop3A_359 = arith.constant 112 : index
      %parallel_loop3A_360 = tpu.vector_load %arg6[%parallel_loop3A_357, %parallel_loop3A_358, %parallel_loop3A_359] {strides = array<i32>} : memref<3x200x128xf32, #tpu.memory_space<vmem>>, vector<1x1x16xf32>,
      %parallel_loop3A_361 = vector.shape_cast %parallel_loop3A_360 : vector<1x1x16xf32> to vector<16xf32>
      %parallel_loop3A_362 = arith.addf %parallel_loop3A_306, %parallel_loop3A_361 : vector<16xf32>
      scf.yield %parallel_loop3A_313, %parallel_loop3A_320, %parallel_loop3A_327, %parallel_loop3A_334, %parallel_loop3A_341, %parallel_loop3A_348, %parallel_loop3A_355, %parallel_loop3A_362 : vector<16xf32>, vector<16xf32>, vector<16xf32>, vector<16xf32>, vector<16xf32>, vector<16xf32>, vector<16xf32>, vector<16xf32>
    } {sc.loop_unroll_factor = 4 : i64, sc.parallel_access}
    %mul3A_226 = arith.constant 5.000000e-03 : f32
    %mul3A_227 = vector.broadcast %mul3A_226 : f32 to vector<16xf32>
    %mul3A_228 = arith.mulf %parallel_loop3A_225#0, %mul3A_227 : vector<16xf32>
    %swap3A_229 = arith.constant 127 : i32
    %swap3A_230 = arith.index_cast %swap3A_229 : i32 to index
    %swap3A_231 = arith.constant 0 : index
    %swap3A_232 = tpu.vector_load %arg7[%swap3A_230, %swap3A_231] {strides = array<i32>} : memref<128x128xf32, #tpu.memory_space<vmem>>, vector<1x16xf32>,
    %swap3A_233 = vector.shape_cast %swap3A_232 : vector<1x16xf32> to vector<16xf32>
    %swap3A_234 = vector.shape_cast %mul3A_228 : vector<16xf32> to vector<1x16xf32>
    tpu.vector_store %arg7[%swap3A_230, %swap3A_231], %swap3A_234 {strides = array<i32>} : memref<128x128xf32, #tpu.memory_space<vmem>>, vector<1x16xf32>,
    %mul3A_235 = arith.constant 5.000000e-03 : f32
    %mul3A_236 = vector.broadcast %mul3A_235 : f32 to vector<16xf32>
    %mul3A_237 = arith.mulf %parallel_loop3A_225#1, %mul3A_236 : vector<16xf32>
    %swap3A_238 = arith.constant 127 : i32
    %swap3A_239 = arith.index_cast %swap3A_238 : i32 to index
    %swap3A_240 = arith.constant 16 : index
    %swap3A_241 = tpu.vector_load %arg7[%swap3A_239, %swap3A_240] {strides = array<i32>} : memref<128x128xf32, #tpu.memory_space<vmem>>, vector<1x16xf32>,
    %swap3A_242 = vector.shape_cast %swap3A_241 : vector<1x16xf32> to vector<16xf32>
    %swap3A_243 = vector.shape_cast %mul3A_237 : vector<16xf32> to vector<1x16xf32>
    tpu.vector_store %arg7[%swap3A_239, %swap3A_240], %swap3A_243 {strides = array<i32>} : memref<128x128xf32, #tpu.memory_space<vmem>>, vector<1x16xf32>,
    %mul3A_244 = arith.constant 5.000000e-03 : f32
    %mul3A_245 = vector.broadcast %mul3A_244 : f32 to vector<16xf32>
    %mul3A_246 = arith.mulf %parallel_loop3A_225#2, %mul3A_245 : vector<16xf32>
    %swap3A_247 = arith.constant 127 : i32
    %swap3A_248 = arith.index_cast %swap3A_247 : i32 to index
    %swap3A_249 = arith.constant 32 : index
    %swap3A_250 = tpu.vector_load %arg7[%swap3A_248, %swap3A_249] {strides = array<i32>} : memref<128x128xf32, #tpu.memory_space<vmem>>, vector<1x16xf32>,
    %swap3A_251 = vector.shape_cast %swap3A_250 : vector<1x16xf32> to vector<16xf32>
    %swap3A_252 = vector.shape_cast %mul3A_246 : vector<16xf32> to vector<1x16xf32>
    tpu.vector_store %arg7[%swap3A_248, %swap3A_249], %swap3A_252 {strides = array<i32>} : memref<128x128xf32, #tpu.memory_space<vmem>>, vector<1x16xf32>,
    %mul3A_253 = arith.constant 5.000000e-03 : f32
    %mul3A_254 = vector.broadcast %mul3A_253 : f32 to vector<16xf32>
    %mul3A_255 = arith.mulf %parallel_loop3A_225#3, %mul3A_254 : vector<16xf32>
    %swap3A_256 = arith.constant 127 : i32
    %swap3A_257 = arith.index_cast %swap3A_256 : i32 to index
    %swap3A_258 = arith.constant 48 : index
    %swap3A_259 = tpu.vector_load %arg7[%swap3A_257, %swap3A_258] {strides = array<i32>} : memref<128x128xf32, #tpu.memory_space<vmem>>, vector<1x16xf32>,
    %swap3A_260 = vector.shape_cast %swap3A_259 : vector<1x16xf32> to vector<16xf32>
    %swap3A_261 = vector.shape_cast %mul3A_255 : vector<16xf32> to vector<1x16xf32>
    tpu.vector_store %arg7[%swap3A_257, %swap3A_258], %swap3A_261 {strides = array<i32>} : memref<128x128xf32, #tpu.memory_space<vmem>>, vector<1x16xf32>,
    %mul3A_262 = arith.constant 5.000000e-03 : f32
    %mul3A_263 = vector.broadcast %mul3A_262 : f32 to vector<16xf32>
    %mul3A_264 = arith.mulf %parallel_loop3A_225#4, %mul3A_263 : vector<16xf32>
    %swap3A_265 = arith.constant 127 : i32
    %swap3A_266 = arith.index_cast %swap3A_265 : i32 to index
    %swap3A_267 = arith.constant 64 : index
    %swap3A_268 = tpu.vector_load %arg7[%swap3A_266, %swap3A_267] {strides = array<i32>} : memref<128x128xf32, #tpu.memory_space<vmem>>, vector<1x16xf32>,
    %swap3A_269 = vector.shape_cast %swap3A_268 : vector<1x16xf32> to vector<16xf32>
    %swap3A_270 = vector.shape_cast %mul3A_264 : vector<16xf32> to vector<1x16xf32>
    tpu.vector_store %arg7[%swap3A_266, %swap3A_267], %swap3A_270 {strides = array<i32>} : memref<128x128xf32, #tpu.memory_space<vmem>>, vector<1x16xf32>,
    %mul3A_271 = arith.constant 5.000000e-03 : f32
    %mul3A_272 = vector.broadcast %mul3A_271 : f32 to vector<16xf32>
    %mul3A_273 = arith.mulf %parallel_loop3A_225#5, %mul3A_272 : vector<16xf32>
    %swap3A_274 = arith.constant 127 : i32
    %swap3A_275 = arith.index_cast %swap3A_274 : i32 to index
    %swap3A_276 = arith.constant 80 : index
    %swap3A_277 = tpu.vector_load %arg7[%swap3A_275, %swap3A_276] {strides = array<i32>} : memref<128x128xf32, #tpu.memory_space<vmem>>, vector<1x16xf32>,
    %swap3A_278 = vector.shape_cast %swap3A_277 : vector<1x16xf32> to vector<16xf32>
    %swap3A_279 = vector.shape_cast %mul3A_273 : vector<16xf32> to vector<1x16xf32>
    tpu.vector_store %arg7[%swap3A_275, %swap3A_276], %swap3A_279 {strides = array<i32>} : memref<128x128xf32, #tpu.memory_space<vmem>>, vector<1x16xf32>,
    %mul3A_280 = arith.constant 5.000000e-03 : f32
    %mul3A_281 = vector.broadcast %mul3A_280 : f32 to vector<16xf32>
    %mul3A_282 = arith.mulf %parallel_loop3A_225#6, %mul3A_281 : vector<16xf32>
    %swap3A_283 = arith.constant 127 : i32
    %swap3A_284 = arith.index_cast %swap3A_283 : i32 to index
    %swap3A_285 = arith.constant 96 : index
    %swap3A_286 = tpu.vector_load %arg7[%swap3A_284, %swap3A_285] {strides = array<i32>} : memref<128x128xf32, #tpu.memory_space<vmem>>, vector<1x16xf32>,
    %swap3A_287 = vector.shape_cast %swap3A_286 : vector<1x16xf32> to vector<16xf32>
    %swap3A_288 = vector.shape_cast %mul3A_282 : vector<16xf32> to vector<1x16xf32>
    tpu.vector_store %arg7[%swap3A_284, %swap3A_285], %swap3A_288 {strides = array<i32>} : memref<128x128xf32, #tpu.memory_space<vmem>>, vector<1x16xf32>,
    %mul3A_289 = arith.constant 5.000000e-03 : f32
    %mul3A_290 = vector.broadcast %mul3A_289 : f32 to vector<16xf32>
    %mul3A_291 = arith.mulf %parallel_loop3A_225#7, %mul3A_290 : vector<16xf32>
    %swap3A_292 = arith.constant 127 : i32
    %swap3A_293 = arith.index_cast %swap3A_292 : i32 to index
    %swap3A_294 = arith.constant 112 : index
    %swap3A_295 = tpu.vector_load %arg7[%swap3A_293, %swap3A_294] {strides = array<i32>} : memref<128x128xf32, #tpu.memory_space<vmem>>, vector<1x16xf32>,
    %swap3A_296 = vector.shape_cast %swap3A_295 : vector<1x16xf32> to vector<16xf32>
    %swap3A_297 = vector.shape_cast %mul3A_291 : vector<16xf32> to vector<1x16xf32>
    tpu.vector_store %arg7[%swap3A_293, %swap3A_294], %swap3A_297 {strides = array<i32>} : memref<128x128xf32, #tpu.memory_space<vmem>>, vector<1x16xf32>,
    "tpu.region"() ({
      %run_scoped3A = tpu.sem_alloc : memref<!tpu.dma_semaphore, #tpu.memory_space<semaphore_mem>>
      %dma_start3A_298 = arith.constant 0 : i32
      %dma_start3A_299 = tpu.memref_slice %arg4[%mul3A_2, %dma_start3A_298] : memref<4096x128xf32, #tpu.memory_space<hbm>> -> memref<128x128xf32, #tpu.memory_space<hbm>>
      %dma_start3A_300 = arith.constant 0 : i32
      %dma_start3A_301 = tpu.memref_slice %arg4[%mul3A_2, %dma_start3A_300] : memref<4096x128xf32, #tpu.memory_space<hbm>> -> memref<128x128xf32, #tpu.memory_space<hbm>>
      tpu.enqueue_dma source(%arg7 : memref<128x128xf32, #tpu.memory_space<vmem>>) target(%dma_start3A_301 : memref<128x128xf32, #tpu.memory_space<hbm>>) target_semaphore(%run_scoped3A : memref<!tpu.dma_semaphore, #tpu.memory_space<semaphore_mem>>)
      %dma_wait3A_302 = arith.constant 0 : i32
      %dma_wait3A_303 = tpu.memref_slice %arg4[%mul3A_2, %dma_wait3A_302] : memref<4096x128xf32, #tpu.memory_space<hbm>> -> memref<128x128xf32, #tpu.memory_space<hbm>>
      %dma_wait3A_304 = arith.constant 0 : i32
      %dma_wait3A_305 = tpu.memref_slice %arg4[%mul3A_2, %dma_wait3A_304] : memref<4096x128xf32, #tpu.memory_space<hbm>> -> memref<128x128xf32, #tpu.memory_space<hbm>>
      tpu.wait_dma2 semaphore(%run_scoped3A : memref<!tpu.dma_semaphore, #tpu.memory_space<semaphore_mem>>) src(%arg7 : memref<128x128xf32, #tpu.memory_space<vmem>>) dst(%dma_wait3A_305 : memref<128x128xf32, #tpu.memory_space<hbm>>)
      tpu.yield
    }) : () -> ()
    return
  }
}

module attributes {stable_mosaic.version = 14 : i64} {
  func.func @_proj_body(%arg0: i32, %arg1: memref<512x128xf32, #tpu.memory_space<vmem>>, %arg2: memref<128x8x128xf32, #tpu.memory_space<vmem>>, %arg3: memref<8x128xf32, #tpu.memory_space<vmem>>, %arg4: memref<512x8x128xf32, #tpu.memory_space<vmem>>) attributes {dimension_semantics = [#tpu.dimension_semantics<arbitrary>], iteration_bounds = array<i64: 8>, scalar_prefetch = 0 : i64, scratch_operands = 0 : i64, tpu.core_type = #tpu.core_type<tc>, window_params = [{transform_indices = @transform_0, window_bounds = array<i64: 512, 128>}, {pipeline_mode = #tpu.pipeline_mode<synchronous>, transform_indices = @transform_1, window_bounds = array<i64: 128, 8, 128>}, {pipeline_mode = #tpu.pipeline_mode<synchronous>, transform_indices = @transform_2, window_bounds = array<i64: 8, 128>}, {transform_indices = @transform_3, window_bounds = array<i64: 512, 8, 128>}]} {
    %get3A = arith.constant 0 : index
    %get3A_0 = arith.constant 0 : index
    %get3A_1 = vector.load %arg1[%get3A, %get3A_0] : memref<512x128xf32, #tpu.memory_space<vmem>>, vector<512x128xf32>
    %get3A_2 = arith.constant 0 : index
    %get3A_3 = arith.constant 0 : index
    %get3A_4 = arith.constant 0 : index
    %get3A_5 = vector.load %arg2[%get3A_2, %get3A_3, %get3A_4] : memref<128x8x128xf32, #tpu.memory_space<vmem>>, vector<128x1x128xf32>
    %get3A_6 = vector.shape_cast %get3A_5 : vector<128x1x128xf32> to vector<128x128xf32>
    %dot_general3A = arith.constant dense<0.000000e+00> : vector<512x128xf32>
    %dot_general3A_7 = tpu.matmul %get3A_1, %get3A_6, %dot_general3A {dimension_numbers = #tpu.dot_dimension_numbers<[1], [0], [0], [1], [0, 0, 1, 1], [], []>, transpose_lhs_hint = false} : vector<512x128xf32>, vector<128x128xf32>, vector<512x128xf32> -> vector<512x128xf32>
    %get3A_8 = arith.constant 0 : index
    %get3A_9 = arith.constant 0 : index
    %get3A_10 = vector.load %arg3[%get3A_8, %get3A_9] : memref<8x128xf32, #tpu.memory_space<vmem>>, vector<1x128xf32>
    %get3A_11 = vector.shape_cast %get3A_10 : vector<1x128xf32> to vector<128xf32>
    %broadcast_in_dim3A = vector.shape_cast %get3A_11 : vector<128xf32> to vector<1x128xf32>
    %add3A = vector.broadcast %broadcast_in_dim3A : vector<1x128xf32> to vector<512x128xf32>
    %add3A_12 = arith.addf %dot_general3A_7, %add3A : vector<512x128xf32>
    %swap3A = arith.constant 0 : index
    %swap3A_13 = arith.constant 0 : index
    %swap3A_14 = arith.constant 0 : index
    %swap3A_15 = vector.load %arg4[%swap3A, %swap3A_13, %swap3A_14] : memref<512x8x128xf32, #tpu.memory_space<vmem>>, vector<512x1x128xf32>
    %swap3A_16 = vector.shape_cast %swap3A_15 : vector<512x1x128xf32> to vector<512x128xf32>
    %swap3A_17 = vector.shape_cast %add3A_12 : vector<512x128xf32> to vector<512x1x128xf32>
    tpu.vector_store %arg4[%swap3A, %swap3A_13, %swap3A_14], %swap3A_17 {strides = array<i32>} : memref<512x8x128xf32, #tpu.memory_space<vmem>>, vector<512x1x128xf32>,
    %get3A_18 = arith.constant 0 : index
    %get3A_19 = arith.constant 1 : index
    %get3A_20 = arith.constant 0 : index
    %get3A_21 = vector.load %arg2[%get3A_18, %get3A_19, %get3A_20] : memref<128x8x128xf32, #tpu.memory_space<vmem>>, vector<128x1x128xf32>
    %get3A_22 = vector.shape_cast %get3A_21 : vector<128x1x128xf32> to vector<128x128xf32>
    %dot_general3A_23 = arith.constant dense<0.000000e+00> : vector<512x128xf32>
    %dot_general3A_24 = tpu.matmul %get3A_1, %get3A_22, %dot_general3A_23 {dimension_numbers = #tpu.dot_dimension_numbers<[1], [0], [0], [1], [0, 0, 1, 1], [], []>, transpose_lhs_hint = false} : vector<512x128xf32>, vector<128x128xf32>, vector<512x128xf32> -> vector<512x128xf32>
    %get3A_25 = arith.constant 1 : index
    %get3A_26 = arith.constant 0 : index
    %get3A_27 = vector.load %arg3[%get3A_25, %get3A_26] : memref<8x128xf32, #tpu.memory_space<vmem>>, vector<1x128xf32>
    %get3A_28 = vector.shape_cast %get3A_27 : vector<1x128xf32> to vector<128xf32>
    %broadcast_in_dim3A_29 = vector.shape_cast %get3A_28 : vector<128xf32> to vector<1x128xf32>
    %add3A_30 = vector.broadcast %broadcast_in_dim3A_29 : vector<1x128xf32> to vector<512x128xf32>
    %add3A_31 = arith.addf %dot_general3A_24, %add3A_30 : vector<512x128xf32>
    %swap3A_32 = arith.constant 0 : index
    %swap3A_33 = arith.constant 1 : index
    %swap3A_34 = arith.constant 0 : index
    %swap3A_35 = vector.load %arg4[%swap3A_32, %swap3A_33, %swap3A_34] : memref<512x8x128xf32, #tpu.memory_space<vmem>>, vector<512x1x128xf32>
    %swap3A_36 = vector.shape_cast %swap3A_35 : vector<512x1x128xf32> to vector<512x128xf32>
    %swap3A_37 = vector.shape_cast %add3A_31 : vector<512x128xf32> to vector<512x1x128xf32>
    tpu.vector_store %arg4[%swap3A_32, %swap3A_33, %swap3A_34], %swap3A_37 {strides = array<i32>} : memref<512x8x128xf32, #tpu.memory_space<vmem>>, vector<512x1x128xf32>,
    %get3A_38 = arith.constant 0 : index
    %get3A_39 = arith.constant 2 : index
    %get3A_40 = arith.constant 0 : index
    %get3A_41 = vector.load %arg2[%get3A_38, %get3A_39, %get3A_40] : memref<128x8x128xf32, #tpu.memory_space<vmem>>, vector<128x1x128xf32>
    %get3A_42 = vector.shape_cast %get3A_41 : vector<128x1x128xf32> to vector<128x128xf32>
    %dot_general3A_43 = arith.constant dense<0.000000e+00> : vector<512x128xf32>
    %dot_general3A_44 = tpu.matmul %get3A_1, %get3A_42, %dot_general3A_43 {dimension_numbers = #tpu.dot_dimension_numbers<[1], [0], [0], [1], [0, 0, 1, 1], [], []>, transpose_lhs_hint = false} : vector<512x128xf32>, vector<128x128xf32>, vector<512x128xf32> -> vector<512x128xf32>
    %get3A_45 = arith.constant 2 : index
    %get3A_46 = arith.constant 0 : index
    %get3A_47 = vector.load %arg3[%get3A_45, %get3A_46] : memref<8x128xf32, #tpu.memory_space<vmem>>, vector<1x128xf32>
    %get3A_48 = vector.shape_cast %get3A_47 : vector<1x128xf32> to vector<128xf32>
    %broadcast_in_dim3A_49 = vector.shape_cast %get3A_48 : vector<128xf32> to vector<1x128xf32>
    %add3A_50 = vector.broadcast %broadcast_in_dim3A_49 : vector<1x128xf32> to vector<512x128xf32>
    %add3A_51 = arith.addf %dot_general3A_44, %add3A_50 : vector<512x128xf32>
    %swap3A_52 = arith.constant 0 : index
    %swap3A_53 = arith.constant 2 : index
    %swap3A_54 = arith.constant 0 : index
    %swap3A_55 = vector.load %arg4[%swap3A_52, %swap3A_53, %swap3A_54] : memref<512x8x128xf32, #tpu.memory_space<vmem>>, vector<512x1x128xf32>
    %swap3A_56 = vector.shape_cast %swap3A_55 : vector<512x1x128xf32> to vector<512x128xf32>
    %swap3A_57 = vector.shape_cast %add3A_51 : vector<512x128xf32> to vector<512x1x128xf32>
    tpu.vector_store %arg4[%swap3A_52, %swap3A_53, %swap3A_54], %swap3A_57 {strides = array<i32>} : memref<512x8x128xf32, #tpu.memory_space<vmem>>, vector<512x1x128xf32>,
    %get3A_58 = arith.constant 0 : index
    %get3A_59 = arith.constant 3 : index
    %get3A_60 = arith.constant 0 : index
    %get3A_61 = vector.load %arg2[%get3A_58, %get3A_59, %get3A_60] : memref<128x8x128xf32, #tpu.memory_space<vmem>>, vector<128x1x128xf32>
    %get3A_62 = vector.shape_cast %get3A_61 : vector<128x1x128xf32> to vector<128x128xf32>
    %dot_general3A_63 = arith.constant dense<0.000000e+00> : vector<512x128xf32>
    %dot_general3A_64 = tpu.matmul %get3A_1, %get3A_62, %dot_general3A_63 {dimension_numbers = #tpu.dot_dimension_numbers<[1], [0], [0], [1], [0, 0, 1, 1], [], []>, transpose_lhs_hint = false} : vector<512x128xf32>, vector<128x128xf32>, vector<512x128xf32> -> vector<512x128xf32>
    %get3A_65 = arith.constant 3 : index
    %get3A_66 = arith.constant 0 : index
    %get3A_67 = vector.load %arg3[%get3A_65, %get3A_66] : memref<8x128xf32, #tpu.memory_space<vmem>>, vector<1x128xf32>
    %get3A_68 = vector.shape_cast %get3A_67 : vector<1x128xf32> to vector<128xf32>
    %broadcast_in_dim3A_69 = vector.shape_cast %get3A_68 : vector<128xf32> to vector<1x128xf32>
    %add3A_70 = vector.broadcast %broadcast_in_dim3A_69 : vector<1x128xf32> to vector<512x128xf32>
    %add3A_71 = arith.addf %dot_general3A_64, %add3A_70 : vector<512x128xf32>
    %swap3A_72 = arith.constant 0 : index
    %swap3A_73 = arith.constant 3 : index
    %swap3A_74 = arith.constant 0 : index
    %swap3A_75 = vector.load %arg4[%swap3A_72, %swap3A_73, %swap3A_74] : memref<512x8x128xf32, #tpu.memory_space<vmem>>, vector<512x1x128xf32>
    %swap3A_76 = vector.shape_cast %swap3A_75 : vector<512x1x128xf32> to vector<512x128xf32>
    %swap3A_77 = vector.shape_cast %add3A_71 : vector<512x128xf32> to vector<512x1x128xf32>
    tpu.vector_store %arg4[%swap3A_72, %swap3A_73, %swap3A_74], %swap3A_77 {strides = array<i32>} : memref<512x8x128xf32, #tpu.memory_space<vmem>>, vector<512x1x128xf32>,
    %get3A_78 = arith.constant 0 : index
    %get3A_79 = arith.constant 4 : index
    %get3A_80 = arith.constant 0 : index
    %get3A_81 = vector.load %arg2[%get3A_78, %get3A_79, %get3A_80] : memref<128x8x128xf32, #tpu.memory_space<vmem>>, vector<128x1x128xf32>
    %get3A_82 = vector.shape_cast %get3A_81 : vector<128x1x128xf32> to vector<128x128xf32>
    %dot_general3A_83 = arith.constant dense<0.000000e+00> : vector<512x128xf32>
    %dot_general3A_84 = tpu.matmul %get3A_1, %get3A_82, %dot_general3A_83 {dimension_numbers = #tpu.dot_dimension_numbers<[1], [0], [0], [1], [0, 0, 1, 1], [], []>, transpose_lhs_hint = false} : vector<512x128xf32>, vector<128x128xf32>, vector<512x128xf32> -> vector<512x128xf32>
    %get3A_85 = arith.constant 4 : index
    %get3A_86 = arith.constant 0 : index
    %get3A_87 = vector.load %arg3[%get3A_85, %get3A_86] : memref<8x128xf32, #tpu.memory_space<vmem>>, vector<1x128xf32>
    %get3A_88 = vector.shape_cast %get3A_87 : vector<1x128xf32> to vector<128xf32>
    %broadcast_in_dim3A_89 = vector.shape_cast %get3A_88 : vector<128xf32> to vector<1x128xf32>
    %add3A_90 = vector.broadcast %broadcast_in_dim3A_89 : vector<1x128xf32> to vector<512x128xf32>
    %add3A_91 = arith.addf %dot_general3A_84, %add3A_90 : vector<512x128xf32>
    %swap3A_92 = arith.constant 0 : index
    %swap3A_93 = arith.constant 4 : index
    %swap3A_94 = arith.constant 0 : index
    %swap3A_95 = vector.load %arg4[%swap3A_92, %swap3A_93, %swap3A_94] : memref<512x8x128xf32, #tpu.memory_space<vmem>>, vector<512x1x128xf32>
    %swap3A_96 = vector.shape_cast %swap3A_95 : vector<512x1x128xf32> to vector<512x128xf32>
    %swap3A_97 = vector.shape_cast %add3A_91 : vector<512x128xf32> to vector<512x1x128xf32>
    tpu.vector_store %arg4[%swap3A_92, %swap3A_93, %swap3A_94], %swap3A_97 {strides = array<i32>} : memref<512x8x128xf32, #tpu.memory_space<vmem>>, vector<512x1x128xf32>,
    %get3A_98 = arith.constant 0 : index
    %get3A_99 = arith.constant 5 : index
    %get3A_100 = arith.constant 0 : index
    %get3A_101 = vector.load %arg2[%get3A_98, %get3A_99, %get3A_100] : memref<128x8x128xf32, #tpu.memory_space<vmem>>, vector<128x1x128xf32>
    %get3A_102 = vector.shape_cast %get3A_101 : vector<128x1x128xf32> to vector<128x128xf32>
    %dot_general3A_103 = arith.constant dense<0.000000e+00> : vector<512x128xf32>
    %dot_general3A_104 = tpu.matmul %get3A_1, %get3A_102, %dot_general3A_103 {dimension_numbers = #tpu.dot_dimension_numbers<[1], [0], [0], [1], [0, 0, 1, 1], [], []>, transpose_lhs_hint = false} : vector<512x128xf32>, vector<128x128xf32>, vector<512x128xf32> -> vector<512x128xf32>
    %get3A_105 = arith.constant 5 : index
    %get3A_106 = arith.constant 0 : index
    %get3A_107 = vector.load %arg3[%get3A_105, %get3A_106] : memref<8x128xf32, #tpu.memory_space<vmem>>, vector<1x128xf32>
    %get3A_108 = vector.shape_cast %get3A_107 : vector<1x128xf32> to vector<128xf32>
    %broadcast_in_dim3A_109 = vector.shape_cast %get3A_108 : vector<128xf32> to vector<1x128xf32>
    %add3A_110 = vector.broadcast %broadcast_in_dim3A_109 : vector<1x128xf32> to vector<512x128xf32>
    %add3A_111 = arith.addf %dot_general3A_104, %add3A_110 : vector<512x128xf32>
    %swap3A_112 = arith.constant 0 : index
    %swap3A_113 = arith.constant 5 : index
    %swap3A_114 = arith.constant 0 : index
    %swap3A_115 = vector.load %arg4[%swap3A_112, %swap3A_113, %swap3A_114] : memref<512x8x128xf32, #tpu.memory_space<vmem>>, vector<512x1x128xf32>
    %swap3A_116 = vector.shape_cast %swap3A_115 : vector<512x1x128xf32> to vector<512x128xf32>
    %swap3A_117 = vector.shape_cast %add3A_111 : vector<512x128xf32> to vector<512x1x128xf32>
    tpu.vector_store %arg4[%swap3A_112, %swap3A_113, %swap3A_114], %swap3A_117 {strides = array<i32>} : memref<512x8x128xf32, #tpu.memory_space<vmem>>, vector<512x1x128xf32>,
    %get3A_118 = arith.constant 0 : index
    %get3A_119 = arith.constant 6 : index
    %get3A_120 = arith.constant 0 : index
    %get3A_121 = vector.load %arg2[%get3A_118, %get3A_119, %get3A_120] : memref<128x8x128xf32, #tpu.memory_space<vmem>>, vector<128x1x128xf32>
    %get3A_122 = vector.shape_cast %get3A_121 : vector<128x1x128xf32> to vector<128x128xf32>
    %dot_general3A_123 = arith.constant dense<0.000000e+00> : vector<512x128xf32>
    %dot_general3A_124 = tpu.matmul %get3A_1, %get3A_122, %dot_general3A_123 {dimension_numbers = #tpu.dot_dimension_numbers<[1], [0], [0], [1], [0, 0, 1, 1], [], []>, transpose_lhs_hint = false} : vector<512x128xf32>, vector<128x128xf32>, vector<512x128xf32> -> vector<512x128xf32>
    %get3A_125 = arith.constant 6 : index
    %get3A_126 = arith.constant 0 : index
    %get3A_127 = vector.load %arg3[%get3A_125, %get3A_126] : memref<8x128xf32, #tpu.memory_space<vmem>>, vector<1x128xf32>
    %get3A_128 = vector.shape_cast %get3A_127 : vector<1x128xf32> to vector<128xf32>
    %broadcast_in_dim3A_129 = vector.shape_cast %get3A_128 : vector<128xf32> to vector<1x128xf32>
    %add3A_130 = vector.broadcast %broadcast_in_dim3A_129 : vector<1x128xf32> to vector<512x128xf32>
    %add3A_131 = arith.addf %dot_general3A_124, %add3A_130 : vector<512x128xf32>
    %swap3A_132 = arith.constant 0 : index
    %swap3A_133 = arith.constant 6 : index
    %swap3A_134 = arith.constant 0 : index
    %swap3A_135 = vector.load %arg4[%swap3A_132, %swap3A_133, %swap3A_134] : memref<512x8x128xf32, #tpu.memory_space<vmem>>, vector<512x1x128xf32>
    %swap3A_136 = vector.shape_cast %swap3A_135 : vector<512x1x128xf32> to vector<512x128xf32>
    %swap3A_137 = vector.shape_cast %add3A_131 : vector<512x128xf32> to vector<512x1x128xf32>
    tpu.vector_store %arg4[%swap3A_132, %swap3A_133, %swap3A_134], %swap3A_137 {strides = array<i32>} : memref<512x8x128xf32, #tpu.memory_space<vmem>>, vector<512x1x128xf32>,
    %get3A_138 = arith.constant 0 : index
    %get3A_139 = arith.constant 7 : index
    %get3A_140 = arith.constant 0 : index
    %get3A_141 = vector.load %arg2[%get3A_138, %get3A_139, %get3A_140] : memref<128x8x128xf32, #tpu.memory_space<vmem>>, vector<128x1x128xf32>
    %get3A_142 = vector.shape_cast %get3A_141 : vector<128x1x128xf32> to vector<128x128xf32>
    %dot_general3A_143 = arith.constant dense<0.000000e+00> : vector<512x128xf32>
    %dot_general3A_144 = tpu.matmul %get3A_1, %get3A_142, %dot_general3A_143 {dimension_numbers = #tpu.dot_dimension_numbers<[1], [0], [0], [1], [0, 0, 1, 1], [], []>, transpose_lhs_hint = false} : vector<512x128xf32>, vector<128x128xf32>, vector<512x128xf32> -> vector<512x128xf32>
    %get3A_145 = arith.constant 7 : index
    %get3A_146 = arith.constant 0 : index
    %get3A_147 = vector.load %arg3[%get3A_145, %get3A_146] : memref<8x128xf32, #tpu.memory_space<vmem>>, vector<1x128xf32>
    %get3A_148 = vector.shape_cast %get3A_147 : vector<1x128xf32> to vector<128xf32>
    %broadcast_in_dim3A_149 = vector.shape_cast %get3A_148 : vector<128xf32> to vector<1x128xf32>
    %add3A_150 = vector.broadcast %broadcast_in_dim3A_149 : vector<1x128xf32> to vector<512x128xf32>
    %add3A_151 = arith.addf %dot_general3A_144, %add3A_150 : vector<512x128xf32>
    %swap3A_152 = arith.constant 0 : index
    %swap3A_153 = arith.constant 7 : index
    %swap3A_154 = arith.constant 0 : index
    %swap3A_155 = vector.load %arg4[%swap3A_152, %swap3A_153, %swap3A_154] : memref<512x8x128xf32, #tpu.memory_space<vmem>>, vector<512x1x128xf32>
    %swap3A_156 = vector.shape_cast %swap3A_155 : vector<512x1x128xf32> to vector<512x128xf32>
    %swap3A_157 = vector.shape_cast %add3A_151 : vector<512x128xf32> to vector<512x1x128xf32>
    tpu.vector_store %arg4[%swap3A_152, %swap3A_153, %swap3A_154], %swap3A_157 {strides = array<i32>} : memref<512x8x128xf32, #tpu.memory_space<vmem>>, vector<512x1x128xf32>,
    return
  }
  func.func @transform_0(%arg0: i32) -> (i32, i32) {
    %c0_i32 = arith.constant 0 : i32
    %c0_i32_0 = arith.constant 0 : i32
    return %arg0, %c0_i32 : i32, i32
  }
  func.func @transform_1(%arg0: i32) -> (i32, i32, i32) {
    %c0_i32 = arith.constant 0 : i32
    %c0_i32_0 = arith.constant 0 : i32
    %c0_i32_1 = arith.constant 0 : i32
    %c0_i32_2 = arith.constant 0 : i32
    return %c0_i32, %c0_i32_0, %c0_i32_1 : i32, i32, i32
  }
  func.func @transform_2(%arg0: i32) -> (i32, i32) {
    %c0_i32 = arith.constant 0 : i32
    %c0_i32_0 = arith.constant 0 : i32
    %c0_i32_1 = arith.constant 0 : i32
    return %c0_i32, %c0_i32_0 : i32, i32
  }
  func.func @transform_3(%arg0: i32) -> (i32, i32, i32) {
    %c0_i32 = arith.constant 0 : i32
    %c0_i32_0 = arith.constant 0 : i32
    %c0_i32_1 = arith.constant 0 : i32
    return %arg0, %c0_i32, %c0_i32_0 : i32, i32, i32
  }
}

</mosaic_0001>

<sc_bundles>
// kernel: kernel.4.cloned.1.call-start
scs
__scs_entry_jumppad:
0x0: {  	(pc) =	sbr.rel $0x88, $3  }
0x1: {  	(tag) =	ssettag $0x0;
	lr =	simm.s32 $0x1  }
0x2: {  	[smem:$0x3F9D] =	sst lr;
	_ =	strace $0xD0000000  }
0x3: {  	_ = 	snop  }
0x4: {  	_ = 	snop  }
0x5: {  	_ = 	snop  }
0x6: {  	_ = 	snop  }
0x7: {  	_ = 	snop  }
__scs_overlays_trampoline_lowered:
0x8: {  	[smem:$0x3FAC] =	sst s0  }
0x9: {  	[smem:$0x3FAD] =	sst s1  }
0xa: {  	[smem:$0x3FAE] =	sst s2  }
0xb: {  	[smem:$0x3FAF] =	sst s3  }
0xc: {  	[smem:$0x3FB0] =	sst s4  }
0xd: {  	[smem:$0x3FB1] =	sst s5  }
0xe: {  	[smem:$0x3FB2] =	sst s6  }
0xf: {  	[smem:$0x3FB3] =	sst s7  }
0x10: {  	[smem:$0x3FB4] =	sst s8  }
0x11: {  	[smem:$0x3FB5] =	sst s9;
	s0 =	simm.s32 @!p0 $0x0  }
0x12: {  	s1 =	sld [smem:$0x3F9B];
	s0 =	simm.s32 @p0 $0x1  }
0x13: {  	[smem:$0x3FB6] =	sst s0;
	s0 =	simm.s32 @!p1 $0x0  }
0x14: {  	s2 =	sld [smem:$0x3F9A];
	s0 =	simm.s32 @p1 $0x1  }
0x15: {  	[smem:$0x3FB7] =	sst s0;
	s0 =	simm.s32 @!p2 $0x0  }
0x16: {  	s3 =	sld [smem:$0x3FDB];
	s0 =	simm.s32 @p2 $0x1  }
0x17: {  	s4 =	simm.s32 $0x1BF5;
	[smem:$0x3FB9] =	sst s0  }
0x18: {  	s0 =	sld [smem:$0x3F9C];
	_ =	swait.ge [sflag:s4], $0x0  }
0x19: {  	s7 =	sld [smem:$0x3F9D]  }
0x1a: {  	s8 =	sadd.s32 $0xFFFFE003, lr  }
0x1b: {  	s9 =	sadd.s32 $0xFFFFFEF7, lr;
	s5 =	simm.s32 $0xFFFFFFFF;
	p2 =	slt.u32 s8, $0xFFFFF086  }
0x1c: {  	p1 =	slt.u32 s9, $0xF7A;
	s5 =	simm.s32 @!p2 $0x0  }
0x1d: {  	s5 =	simm.s32 @p1 $0x1;
	p0 =	seq.s32 s7, s2  }
0x1e: {  	s7 =	smul.u32 @!p0 $0xF7A, s2;
	p2 =	seq.s32 @!p0 s5, $0x0  }
0x1f: {  	s9 =	smul.u32 $0xF7A, s1;
	s8 =	simm.s32 @!p0 $0x1BF5;
	p2 =	por !p2, p0  }
0x20: {  	[sflag:s8] =	ssyncset.s32 @!p0 $0xFFFFF086;
	s6 =	sadd.s32 @!p0 s3, s7;
	s7 =	simm.s32 @!p0 $0x108  }
0x21: {  	s3 =	sadd.s32 s3, s9;
	s6 =	sadd.s32 @!p0 $0x88, s6;
	s7 =	simm.s32 @p2 $0x1082  }
0x22: {  	[simem:s7], [sflag:s8] =	dma.local @!p0 [hbm:s6], $0xF7A  }
0x23: {  	s9 =	sor.u32 $0xD0000000, s2;
	s6 =	simm.s32 $0x108;
	_ =	swait.ge @!p0 [sflag:s8], $0x0  }
0x24: {  	s3 =	sadd.s32 $0x88, s3;
	s6 =	simm.s32 @!p1 $0x1082;
	[sflag:s4] =	ssyncset.s32 $0xFFFFF086  }
0x25: {  	[simem:s6], [sflag:s4] =	dma.local [hbm:s3], $0xF7A  }
0x26: {  	[smem:$0x3F9D] =	sst s1;
	(tag) =	ssettag s2;
	_ =	strace s9  }
0x27: {  	s1 =	sld [smem:$0x3FAD]  }
0x28: {  	s2 =	sld [smem:$0x3FAE]  }
0x29: {  	s4 =	sld [smem:$0x3FB0]  }
0x2a: {  	p0 =	seq.s32 s5, $0x0;
	s5 =	sld [smem:$0x3FB1]  }
0x2b: {  	s6 =	sld [smem:$0x3FB2]  }
0x2c: {  	s7 =	sld [smem:$0x3FB3]  }
0x2d: {  	s3 =	simm.s32 $0x108;
	s8 =	sld [smem:$0x3FB4]  }
0x2e: {  	s3 =	simm.s32 @!p0 $0x1082;
	s9 =	sld [smem:$0x3FB5]  }
0x2f: {  	lr =	sadd.s32 s0, s3;
	s0 =	sld [smem:$0x3FAC]  }
0x30: {  	s3 =	sld [smem:$0x3FAF]  }
0x31: {  	[smem:$0x3FB8] =	sst s10  }
0x32: {  	s10 =	sld [smem:$0x3FB6];
	_ =	sdelay $0x3  }
0x33: {  	p0 =	seq.s32 s10, $0x1;
	s10 =	sld [smem:$0x3FB8];
	_ =	sdelay $0x3  }
0x34: {  	[smem:$0x3FB8] =	sst s10  }
0x35: {  	s10 =	sld [smem:$0x3FB7];
	_ =	sdelay $0x3  }
0x36: {  	p1 =	seq.s32 s10, $0x1;
	s10 =	sld [smem:$0x3FB8];
	_ =	sdelay $0x3  }
0x37: {  	[smem:$0x3FB8] =	sst s10  }
0x38: {  	s10 =	sld [smem:$0x3FB9]  }
0x39: {  	_ = 	snop;
	(pc) =	sbr.ind lr, $3  }
0x3a: {  	_ = 	snop  }
0x3b: {  	_ = 	snop  }
0x3c: {  	p2 =	seq.s32 s10, $0x1;
	s10 =	sld [smem:$0x3FB8]  }
0x3d: {  	_ =	shalt  }
0x3e: {  	_ =	shalt  }
0x3f: {  	_ =	shalt  }
0x40: {  	_ =	shalt  }
0x41: {  	_ =	shalt  }
0x42: {  	_ =	shalt  }
0x43: {  	_ =	shalt  }
0x44: {  	_ =	shalt  }
0x45: {  	_ =	shalt  }
0x46: {  	_ =	shalt  }
0x47: {  	_ =	shalt  }
0x48: {  	_ =	shalt  }
0x49: {  	_ =	shalt  }
0x4a: {  	_ =	shalt  }
0x4b: {  	_ =	shalt  }
0x4c: {  	_ =	shalt  }
0x4d: {  	_ =	shalt  }
0x4e: {  	_ =	shalt  }
0x4f: {  	_ =	shalt  }
0x50: {  	_ =	shalt  }
0x51: {  	_ =	shalt  }
0x52: {  	_ =	shalt  }
0x53: {  	_ =	shalt  }
0x54: {  	_ =	shalt  }
0x55: {  	_ =	shalt  }
0x56: {  	_ =	shalt  }
0x57: {  	_ =	shalt  }
0x58: {  	_ =	shalt  }
0x59: {  	_ =	shalt  }
0x5a: {  	_ =	shalt  }
0x5b: {  	_ =	shalt  }
0x5c: {  	_ =	shalt  }
0x5d: {  	_ =	shalt  }
0x5e: {  	_ =	shalt  }
0x5f: {  	_ =	shalt  }
0x60: {  	_ =	shalt  }
0x61: {  	_ =	shalt  }
0x62: {  	_ =	shalt  }
0x63: {  	_ =	shalt  }
0x64: {  	_ =	shalt  }
0x65: {  	_ =	shalt  }
0x66: {  	_ =	shalt  }
0x67: {  	_ =	shalt  }
0x68: {  	_ =	shalt  }
0x69: {  	_ =	shalt  }
0x6a: {  	_ =	shalt  }
0x6b: {  	_ =	shalt  }
0x6c: {  	_ =	shalt  }
0x6d: {  	_ =	shalt  }
0x6e: {  	_ =	shalt  }
0x6f: {  	_ =	shalt  }
0x70: {  	_ =	shalt  }
0x71: {  	_ =	shalt  }
0x72: {  	_ =	shalt  }
0x73: {  	_ =	shalt  }
0x74: {  	_ =	shalt  }
0x75: {  	_ =	shalt  }
0x76: {  	_ =	shalt  }
0x77: {  	_ =	shalt  }
0x78: {  	_ =	shalt  }
0x79: {  	_ =	shalt  }
0x7a: {  	_ =	shalt  }
0x7b: {  	_ =	shalt  }
0x7c: {  	_ =	shalt  }
0x7d: {  	_ =	shalt  }
0x7e: {  	_ =	shalt  }
0x7f: {  	_ =	shalt  }
0x80: {  	_ =	shalt  }
0x81: {  	_ =	shalt  }
0x82: {  	_ =	shalt  }
0x83: {  	_ =	shalt  }
0x84: {  	_ =	shalt  }
0x85: {  	_ =	shalt  }
0x86: {  	_ =	shalt  }
0x87: {  	_ =	shalt  }
.Lfunc_end0:
.L_simem_size_0:
called_computation_lowered:
.L_overlay_start_0:
0x88: {  	s2 =	sld [smem:$0x3FD9]  }
0x89: {  	s3 =	sld [smem:$0x3FFE];
	_ =	sdelay $0x1  }
0x8a: {  	s1 =	srdreg.scid  }
0x8b: {  	s0 =	sand.u32 $0x1, s1  }
0x8c: {  	s17 =	sshll.u32 s0, $0xA;
	s2 =	sadd.s32 s3, s2  }
0x8d: {  	s2 =	sadd.s32 s2, s17  }
0x8e: {  	[smem:$0x3FC4] =	sst s2  }
0x8f: {  	_ = 	snop  }
0x90: {  	s2 =	sld [smem:$0x3FC8]  }
0x91: {  	s18 =	sld [smem:$0x3FD0];
	(tm) =	ssettm $0x1  }
0x92: {  	s4 =	sld [smem:$0x3FFB];
	_ =	sdelay $0x3  }
0x93: {  	_ =	strace s4  }
0x94: {  	s4 =	sld [smem:$0x3FFC];
	_ =	sdelay $0x3  }
0x95: {  	_ =	strace s4  }
0x96: {  	s4 =	sld [smem:$0x3FFD];
	_ =	sdelay $0x3  }
0x97: {  	_ =	strace s4  }
0x98: {  	_ =	strace $0x8FFFFFFF  }
0x99: {  	s19 =	sld [smem:$0x3FDB];
	_ =	sdelay $0x1  }
0x9a: {  	s5 =	simm.s32 $_scs_section_size  }
0x9b: {  	s6 =	simm.s32 $_size__tile_overlayer_lowered;
	s7 =	simm.s32 $_tile_overlayer_lowered  }
0x9c: {  	s22 =	simm.s32 $0x1BFF;
	s21 =	sshll.u32 s7, $0x1;
	s4 =	sadd.s32 s5, s19  }
0x9d: {  	s8 =	simm.s32 $0x0;
	s20 =	sshll.u32 s6, $0x1;
	s6 =	sadd.s32 s21, s4  }
0x9e: {  	[timem:s8], [sflag:s22] =	dma.local [hbm:s6], s20  }
0x9f: {  	_ =	swait.ge [sflag:s22], s20  }
0xa0: {  	s5 =	ssub.s32 $0x0, s20;
	[sflag:s22] =	ssyncset.done $0x0  }
0xa1: {  	[sflag:s22] =	ssyncadd.s32 s5;
	_ =	sdelay $0x1  }
0xa2: {  	s23 =	simm.s32 $0x1B8B  }
0xa3: {  	_ =	swait.ge [sflag:s23], $0x1  }
0xa4: {  	[sflag:s23] =	ssyncset.done $0x0  }
0xa5: {  	s25 =	simm.s32 $0x1B8E;
	s24 =	sld [smem:$0x3FFE];
	[sflag:s23] =	ssyncadd.s32 $0xFFFFFFFF  }
0xa6: {  	s26 =	simm.s32 $execute0_lowered;
	[smem:$0x3FD2] =	sst s25  }
0xa7: {  	s6 =	sshll.u32 s26, $0x1;
	_ =	strace $0x80000046;
	[dreg:$0x1] =	wrdreg $0xFFFFFFFF  }
0xa8: {  	s28 =	simm.s32 $_size_execute0_lowered;
	s4 =	sadd.s32 s4, s6;
	[dreg:$0x0] =	wrdreg $0x0  }
0xa9: {  	s6 =	sshll.u32 s28, $0x1;
	[dreg:$0x2] =	wrdreg s4  }
0xaa: {  	[dreg:$0x3] =	wrdreg s6  }
0xab: {  	[dreg:$0x4] =	wrdreg $0xC0  }
0xac: {  	_ =	task [dreg:s8], $0x5FFFF  }
0xad: {  	[dreg:$0x1] =	wrdreg $0xFFFFFFFF  }
0xae: {  	[dreg:$0x0] =	wrdreg $0x60  }
0xaf: {  	[dreg:$0x2] =	wrdreg s18  }
0xb0: {  	[dreg:$0x3] =	wrdreg s2  }
0xb1: {  	[dreg:$0x4] =	wrdreg s24  }
0xb2: {  	[dreg:$0x5] =	wrdreg $0x9  }
0xb3: {  	_ =	task.clear_ibuf [dreg:s8], $0x6FFFF;
	_ =	strace $0x90000046  }
0xb4: {  	s29 =	simm.s32 $0x9;
	_ =	strace $0x80000048  }
0xb5: {  	_ =	swait.ge [sflag:s29], $0x1  }
0xb6: {  	[sflag:s29] =	ssyncadd.s32 $0xFFFFFFFF  }
0xb7: {  	_ =	strace $0x90000048  }
0xb8: {  	_ =	sfence  }
0xb9: {  	s30 =	sld [smem:$0x0];
	_ =	sdelay $0x2  }
0xba: {  	s31 =	sshll.u32 s1, $0xD;
	s1 =	sshrl.u32 s1, $0x2  }
0xbb: {  	s3 =	sand.u32 $0x4000, s31;
	s1 =	sadd.s32 s1, s30  }
0xbc: {  	s0 =	sor.u32 s3, s0;
	s1 =	sshll.u32 s1, $0x11  }
0xbd: {  	s0 =	sor.u32 s1, s0  }
0xbe: {  	s0 =	sadd.s32 $0x8F2B, s0  }
0xbf: {  	[sflag:s0] =	ssyncadd.remote.s32 $0x1  }
0xc0: {  	_ =	sfence.sel $0xFFFF  }
0xc1: {  	[dreg:$0x0] =	wrdreg $0xFFFFFFFF;
	(pc) =	sbr.abs _section_cstart, $3  }
0xc2: {  	[dreg:$0x1] =	wrdreg $0xFFFFFFFF  }
0xc3: {  	_ =	task.clear_ibuf [dreg:s8], $0x2FFFF;
	_ =	strace $0x9FFFFFFF  }
0xc4: {  	(tm) =	ssettm $0x7FFFFFFF  }
0xc5: {  	_ =	shalt  }
tec
execute0_lowered:
.L_overlay_start_1:
0x0: {  	(tag) =	ssettag $0x1  }
0x1: {  	s4 =	rddreg [dreg:$0x0]  }
0x2: {  	s1 =	rddreg [dreg:$0x1]  }
0x3: {  	s5 =	rddreg [dreg:$0x2]  }
0x4: {  	s0 =	rddreg [dreg:$0x3];
	s3 =	simm.s32 $0x0  }
0x5: {  	s6 =	srdreg.scid;
	s2 =	stileid.u32;
	s10 =	simm.s32 $0x48  }
0x6: {  	s11 =	simm.s32 $0xC000;
	s12 =	simm.s32 $0x100;
	s13 =	simm.s32 $0xE400  }
0x7: {  	s14 =	simm.s32 $0x180;
	s15 =	simm.s32 $0x12400;
	s16 =	simm.s32 $0x14800  }
0x8: {  	s17 =	simm.s32 $0x18800;
	s18 =	simm.s32 $0x1;
	s19 =	simm.s32 $0x2  }
0x9: {  	s20 =	simm.s32 $0x3;
	s21 =	simm.s32 $0x1AC00;
	s22 =	simm.s32 $0x0  }
0xa: {  	s30 =	simm.s32 $0x0;
	s6 =	sand.u32 $0x1, s6;
	s7 =	sshll.u32 s2, $0x1  }
0xb: {  	[smem:$0x7FF] =	sst s3;
	s7 =	sor.u32 s6, s7;
	s6 =	ssub.s32 $0x2, s6  }
0xc: {  	_ =	strace $0x80000047;
	s8 =	sshll.u32 s7, $0xB;
	s9 =	sshrl.u32 s6, $0x1  }
0xd: {  	s7 =	sshll.u32 s7, $0xC;
	s5 =	sadd.s32 s8, s5;
	s6 =	ssub.s32 s6, s9  }
0xe: {  	s4 =	sadd.s32 s4, s7;
	s7 =	simm.s32 $0x4;
	s8 =	simm.s32 $0x80  }
0xf: {  	s9 =	simm.s32 $0x8000;
	s5 =	sadd.s32 $0xA00, s5;
	s6 =	smax.u32 s6, $0x1  }
.LBB2_1:
0x10: {  	[tilespmem:s3], [sflag:$0x4] =	stream.linear.gather [hbm4b:s4+s3], $0x8000, $0x38;
	[tilespmem:$0x1EC00] =	vst v63  }
0x11: {  	_ =	swait.ge [sflag:s7], $0x8000  }
0x12: {  	[sflag:s7] =	ssyncset.done $0x0  }
0x13: {  	[sflag:s7] =	ssyncadd.s32 $0xFFFF8000  }
0x14: {  	[tilespmem:s9], [sflag:$0x1] =	stream.indirect.gather [hbm4b:s1+s8], $0x80, s3, s8, $0xb8;
	[tilespmem:$0x1EC00] =	vst v63  }
0x15: {  	_ = 	snop  }
0x16: {  	[tilespmem:s11], [sflag:$0x1] =	stream.indirect.gather [hbm4b:s1+s10], $0x80, s8, s10, $0xb8;
	[tilespmem:$0x1EC00] =	vst v63  }
0x17: {  	_ = 	snop  }
0x18: {  	[tilespmem:s13], [sflag:$0x2] =	stream.indirect.gather [hbm4b:s1+s8], $0x80, s12, s8, $0xb8;
	[tilespmem:$0x1EC00] =	vst v63  }
0x19: {  	s23 =	simm.s32 $0x0  }
0x1a: {  	[tilespmem:s15], [sflag:$0x2] =	stream.indirect.gather [hbm4b:s1+s10], $0x80, s14, s10, $0xb8;
	[tilespmem:$0x1EC00] =	vst v63  }
.LBB2_2:
0x1b: {  	s24 =	smul.u32 $0x3, s23;
	_ =	sdelay $0x1  }
0x1c: {  	s24 =	sadd.s32 $0x2, s24  }
0x1d: {  	s25 =	sshll.u32 s24, $0x8  }
0x1e: {  	s25 =	sand.u32 $0x3FFFFF00, s25  }
0x1f: {  	[tilespmem:s16], [sflag:$0x3] =	stream.indirect.gather [hbm4b:s1+s8], $0x80, s25, s8, $0xb8;
	[tilespmem:$0x1EC00] =	vst v63  }
0x20: {  	s25 =	sor.u32 $0x80, s25  }
0x21: {  	[tilespmem:s17], [sflag:$0x3] =	stream.indirect.gather [hbm4b:s1+s10], $0x80, s25, s10, $0xb8;
	[tilespmem:$0x1EC00] =	vst v63  }
0x22: {  	_ =	swait.ge [sflag:s18], $0x4000  }
0x23: {  	[sflag:s18] =	ssyncset.done $0x0  }
0x24: {  	[sflag:s18] =	ssyncadd.s32 $0xFFFFC000  }
0x25: {  	_ =	swait.ge [sflag:s18], $0x2400  }
0x26: {  	[sflag:s18] =	ssyncset.done $0x0  }
0x27: {  	s28 =	simm.s32 $0x0;
	[sflag:s18] =	ssyncadd.s32 $0xFFFFDC00  }
0x28: {  	v0 =	vld [tilespmem:s28+$0x8070]  }
0x29: {  	v1 =	vld [tilespmem:s28+$0x8000]  }
0x2a: {  	v3 =	vld [tilespmem:s28+$0x8010]  }
0x2b: {  	v12 =	vld [tilespmem:s28+$0x8020]  }
0x2c: {  	v11 =	vld [tilespmem:s28+$0x8030]  }
0x2d: {  	v2 =	vimm.f32 $0.0e+00;
	v8 =	vimm.f32 $0.0e+00;
	v5 =	vld [tilespmem:s28+$0x8040]  }
0x2e: {  	v9 =	vimm.f32 $0.0e+00;
	v6 =	vld [tilespmem:s28+$0x8050];
	v0 =	vadd.f32 v0, v2;
	v7 =	vadd.f32 v1, v2  }
0x2f: {  	s26 =	simm.s32 $0x400;
	s25 =	simm.s32 $0x80;
	v10 =	vld [tilespmem:s28+$0x8060];
	v4 =	vadd.f32 v3, v2;
	v3 =	vimm.f32 $0.0e+00;
	v1 =	vimm.f32 $0.0e+00  }
.LBB2_3:
0x30: {  	p0 =	sne.s32 s26, $0x18E00;
	v13 =	vld [tilespmem:s25+$0x8070];
	v2 =	vadd.f32 v12, v2  }
0x31: {  	v14 =	vld [tilespmem:s25+$0x8000];
	v8 =	vadd.f32 v11, v8  }
0x32: {  	v15 =	vld [tilespmem:s25+$0x8010];
	v9 =	vadd.f32 v5, v9  }
.Ltmp0:
0x33: {  	v12 =	vld [tilespmem:s25+$0x8020];
	v3 =	vadd.f32 v6, v3;
	(pc) =	sbr.rel @p0 .LBB2_3-.Ltmp0, $4  }
0x34: {  	v11 =	vld [tilespmem:s25+$0x8030];
	v1 =	vadd.f32 v10, v1  }
0x35: {  	v5 =	vld [tilespmem:s25+$0x8040];
	v0 =	vadd.f32 v13, v0  }
0x36: {  	v7 =	vadd.f32 v14, v7;
	v6 =	vld [tilespmem:s25+$0x8050]  }
0x37: {  	v4 =	vadd.f32 v15, v4;
	v10 =	vld [tilespmem:s25+$0x8060];
	s25 =	sshra.s32 s26, $0x2;
	s26 =	sadd.s32 $0x200, s26  }
0x38: {  	v13 =	vld [tilespmem:s25+$0x8000]  }
0x39: {  	v14 =	vld [tilespmem:s25+$0x8010]  }
0x3a: {  	v15 =	vld [tilespmem:s25+$0x8020]  }
0x3b: {  	v2 =	vadd.f32 v12, v2;
	v12 =	vld [tilespmem:s25+$0x8050]  }
0x3c: {  	v8 =	vadd.f32 v11, v8;
	v11 =	vld [tilespmem:s25+$0x8060]  }
0x3d: {  	v16 =	vld [tilespmem:s25+$0x8030];
	v5 =	vadd.f32 v5, v9;
	v7 =	vadd.f32 v13, v7  }
0x3e: {  	v17 =	vld [tilespmem:s25+$0x8040];
	s26 =	smul.u32 $0x600, s23;
	v3 =	vadd.f32 v6, v3;
	v4 =	vadd.f32 v14, v4  }
0x3f: {  	v9 =	vld [tilespmem:s25+$0x8070];
	v1 =	vadd.f32 v10, v1;
	v2 =	vadd.f32 v15, v2;
	v7 =	vmul.f32 $4.999999890e-03, v7  }
0x40: {  	s25 =	sshra.s32 s26, $0x2;
	v3 =	vadd.f32 v12, v3;
	v4 =	vmul.f32 $4.999999890e-03, v4  }
0x41: {  	v1 =	vadd.f32 v11, v1;
	v2 =	vmul.f32 $4.999999890e-03, v2;
	[tilespmem:s25+$0x1AC00] =	vst v7  }
0x42: {  	v6 =	vadd.f32 v16, v8;
	v3 =	vmul.f32 $4.999999890e-03, v3;
	[tilespmem:s25+$0x1AC10] =	vst v4  }
0x43: {  	v5 =	vadd.f32 v17, v5;
	v1 =	vmul.f32 $4.999999890e-03, v1;
	[tilespmem:s25+$0x1AC20] =	vst v2  }
0x44: {  	v0 =	vadd.f32 v9, v0;
	v4 =	vmul.f32 $4.999999890e-03, v6;
	[tilespmem:s25+$0x1AC50] =	vst v3  }
0x45: {  	s31 =	smul.u32 $0xC00, s23;
	v2 =	vmul.f32 $4.999999890e-03, v5;
	[tilespmem:s25+$0x1AC60] =	vst v1  }
0x46: {  	v0 =	vmul.f32 $4.999999890e-03, v0;
	[tilespmem:s25+$0x1AC30] =	vst v4  }
0x47: {  	s26 =	sshra.s32 s31, $0x2;
	[tilespmem:s25+$0x1AC40] =	vst v2  }
0x48: {  	s28 =	sadd.s32 $0x300, s26;
	[tilespmem:s25+$0x1AC70] =	vst v0  }
0x49: {  	[tilespmem:s9], [sflag:$0x1] =	stream.indirect.gather [hbm4b:s1+s8], $0x80, s28, s8, $0xb8;
	[tilespmem:$0x1EC00] =	vst v63  }
0x4a: {  	s28 =	sadd.s32 $0x380, s26  }
0x4b: {  	[tilespmem:s11], [sflag:$0x1] =	stream.indirect.gather [hbm4b:s1+s10], $0x80, s28, s10, $0xb8;
	[tilespmem:$0x1EC00] =	vst v63  }
0x4c: {  	_ =	swait.ge [sflag:s19], $0x4000  }
0x4d: {  	[sflag:s19] =	ssyncset.done $0x0  }
0x4e: {  	[sflag:s19] =	ssyncadd.s32 $0xFFFFC000  }
0x4f: {  	_ =	swait.ge [sflag:s19], $0x2400  }
0x50: {  	[sflag:s19] =	ssyncset.done $0x0  }
0x51: {  	[sflag:s19] =	ssyncadd.s32 $0xFFFFDC00  }
0x52: {  	v0 =	vld [tilespmem:s30+$0xE470]  }
0x53: {  	v2 =	vld [tilespmem:s30+$0xE400]  }
0x54: {  	v3 =	vld [tilespmem:s30+$0xE410]  }
0x55: {  	v12 =	vld [tilespmem:s30+$0xE420]  }
0x56: {  	v10 =	vld [tilespmem:s30+$0xE430]  }
0x57: {  	v9 =	vimm.f32 $0.0e+00;
	v1 =	vimm.f32 $0.0e+00;
	v7 =	vld [tilespmem:s30+$0xE440]  }
0x58: {  	v6 =	vimm.f32 $0.0e+00;
	v8 =	vld [tilespmem:s30+$0xE450];
	v0 =	vadd.f32 v0, v1;
	v5 =	vadd.f32 v2, v1  }
0x59: {  	s29 =	simm.s32 $0x400;
	s28 =	simm.s32 $0x80;
	v11 =	vld [tilespmem:s30+$0xE460];
	v4 =	vadd.f32 v3, v1;
	v3 =	vimm.f32 $0.0e+00;
	v2 =	vimm.f32 $0.0e+00  }
.LBB2_5:
0x5a: {  	p0 =	sne.s32 s29, $0x18E00;
	v13 =	vld [tilespmem:s28+$0xE470];
	v1 =	vadd.f32 v12, v1  }
0x5b: {  	v14 =	vld [tilespmem:s28+$0xE400];
	v6 =	vadd.f32 v10, v6  }
0x5c: {  	v15 =	vld [tilespmem:s28+$0xE410];
	v9 =	vadd.f32 v7, v9  }
.Ltmp1:
0x5d: {  	v12 =	vld [tilespmem:s28+$0xE420];
	v3 =	vadd.f32 v8, v3;
	(pc) =	sbr.rel @p0 .LBB2_5-.Ltmp1, $4  }
0x5e: {  	v10 =	vld [tilespmem:s28+$0xE430];
	v2 =	vadd.f32 v11, v2  }
0x5f: {  	v7 =	vld [tilespmem:s28+$0xE440];
	v0 =	vadd.f32 v13, v0  }
0x60: {  	v5 =	vadd.f32 v14, v5;
	v8 =	vld [tilespmem:s28+$0xE450]  }
0x61: {  	v4 =	vadd.f32 v15, v4;
	v11 =	vld [tilespmem:s28+$0xE460];
	s28 =	sshra.s32 s29, $0x2;
	s29 =	sadd.s32 $0x200, s29  }
0x62: {  	v13 =	vld [tilespmem:s28+$0xE400]  }
0x63: {  	v14 =	vld [tilespmem:s28+$0xE410]  }
0x64: {  	v15 =	vld [tilespmem:s28+$0xE420]  }
0x65: {  	v1 =	vadd.f32 v12, v1;
	v12 =	vld [tilespmem:s28+$0xE450]  }
0x66: {  	v16 =	vld [tilespmem:s28+$0xE430]  }
0x67: {  	v17 =	vld [tilespmem:s28+$0xE440];
	v7 =	vadd.f32 v7, v9;
	v5 =	vadd.f32 v13, v5  }
0x68: {  	v9 =	vld [tilespmem:s28+$0xE470];
	v3 =	vadd.f32 v8, v3;
	v4 =	vadd.f32 v14, v4  }
0x69: {  	v6 =	vadd.f32 v10, v6;
	v10 =	vld [tilespmem:s28+$0xE460];
	v1 =	vadd.f32 v15, v1;
	v5 =	vmul.f32 $4.999999890e-03, v5  }
0x6a: {  	v3 =	vadd.f32 v12, v3;
	v4 =	vmul.f32 $4.999999890e-03, v4  }
0x6b: {  	v6 =	vadd.f32 v16, v6;
	v1 =	vmul.f32 $4.999999890e-03, v1;
	[tilespmem:s25+$0x1AC80] =	vst v5  }
0x6c: {  	v2 =	vadd.f32 v11, v2;
	v7 =	vadd.f32 v17, v7;
	v3 =	vmul.f32 $4.999999890e-03, v3;
	[tilespmem:s25+$0x1AC90] =	vst v4  }
0x6d: {  	v0 =	vadd.f32 v9, v0;
	v4 =	vmul.f32 $4.999999890e-03, v6;
	[tilespmem:s25+$0x1ACA0] =	vst v1  }
0x6e: {  	v2 =	vadd.f32 v10, v2;
	v1 =	vmul.f32 $4.999999890e-03, v7;
	[tilespmem:s25+$0x1ACD0] =	vst v3  }
0x6f: {  	v0 =	vmul.f32 $4.999999890e-03, v0;
	[tilespmem:s25+$0x1ACB0] =	vst v4  }
0x70: {  	[tilespmem:s25+$0x1ACC0] =	vst v1;
	v1 =	vmul.f32 $4.999999890e-03, v2  }
0x71: {  	[tilespmem:s25+$0x1ACF0] =	vst v0  }
0x72: {  	s28 =	sadd.s32 $0x400, s26;
	[tilespmem:s25+$0x1ACE0] =	vst v1  }
0x73: {  	[tilespmem:s13], [sflag:$0x2] =	stream.indirect.gather [hbm4b:s1+s8], $0x80, s28, s8, $0xb8;
	[tilespmem:$0x1EC00] =	vst v63  }
0x74: {  	s29 =	sadd.s32 $0x480, s26  }
0x75: {  	[tilespmem:s15], [sflag:$0x2] =	stream.indirect.gather [hbm4b:s1+s10], $0x80, s29, s10, $0xb8;
	[tilespmem:$0x1EC00] =	vst v63  }
0x76: {  	_ =	swait.ge [sflag:s20], $0x4000  }
0x77: {  	[sflag:s20] =	ssyncset.done $0x0  }
0x78: {  	[sflag:s20] =	ssyncadd.s32 $0xFFFFC000  }
0x79: {  	_ =	swait.ge [sflag:s20], $0x2400  }
0x7a: {  	[sflag:s20] =	ssyncset.done $0x0  }
0x7b: {  	s31 =	simm.s32 $0x0;
	[sflag:s20] =	ssyncadd.s32 $0xFFFFDC00  }
0x7c: {  	v0 =	vld [tilespmem:s31+$0x14870]  }
0x7d: {  	v1 =	vld [tilespmem:s31+$0x14800]  }
0x7e: {  	v3 =	vld [tilespmem:s31+$0x14810]  }
0x7f: {  	v12 =	vld [tilespmem:s31+$0x14820]  }
0x80: {  	v11 =	vld [tilespmem:s31+$0x14830]  }
0x81: {  	v10 =	vimm.f32 $0.0e+00;
	v2 =	vimm.f32 $0.0e+00;
	v8 =	vld [tilespmem:s31+$0x14840]  }
0x82: {  	v7 =	vimm.f32 $0.0e+00;
	v5 =	vld [tilespmem:s31+$0x14850];
	v0 =	vadd.f32 v0, v2;
	v6 =	vadd.f32 v1, v2  }
0x83: {  	s26 =	simm.s32 $0x400;
	s25 =	simm.s32 $0x80;
	v9 =	vld [tilespmem:s31+$0x14860];
	v4 =	vadd.f32 v3, v2;
	v3 =	vimm.f32 $0.0e+00;
	v1 =	vimm.f32 $0.0e+00  }
.LBB2_7:
0x84: {  	p0 =	sne.s32 s26, $0x18E00;
	v13 =	vld [tilespmem:s25+$0x14870];
	v2 =	vadd.f32 v12, v2  }
0x85: {  	v14 =	vld [tilespmem:s25+$0x14800];
	v7 =	vadd.f32 v11, v7  }
0x86: {  	v15 =	vld [tilespmem:s25+$0x14810];
	v10 =	vadd.f32 v8, v10  }
.Ltmp2:
0x87: {  	v12 =	vld [tilespmem:s25+$0x14820];
	v3 =	vadd.f32 v5, v3;
	(pc) =	sbr.rel @p0 .LBB2_7-.Ltmp2, $4  }
0x88: {  	v11 =	vld [tilespmem:s25+$0x14830];
	v1 =	vadd.f32 v9, v1  }
0x89: {  	v8 =	vld [tilespmem:s25+$0x14840];
	v0 =	vadd.f32 v13, v0  }
0x8a: {  	v6 =	vadd.f32 v14, v6;
	v5 =	vld [tilespmem:s25+$0x14850]  }
0x8b: {  	v4 =	vadd.f32 v15, v4;
	v9 =	vld [tilespmem:s25+$0x14860];
	s25 =	sshra.s32 s26, $0x2;
	s26 =	sadd.s32 $0x200, s26  }
0x8c: {  	v13 =	vld [tilespmem:s25+$0x14800]  }
0x8d: {  	v14 =	vld [tilespmem:s25+$0x14810]  }
0x8e: {  	v15 =	vld [tilespmem:s25+$0x14820]  }
0x8f: {  	v16 =	vld [tilespmem:s25+$0x14830]  }
0x90: {  	v17 =	vld [tilespmem:s25+$0x14840]  }
0x91: {  	v2 =	vadd.f32 v12, v2;
	v57 =	vld [tilespmem:s25+$0x14850];
	v6 =	vadd.f32 v13, v6  }
0x92: {  	v59 =	vld [tilespmem:s25+$0x14870];
	v7 =	vadd.f32 v11, v7;
	v4 =	vadd.f32 v14, v4  }
0x93: {  	v58 =	vld [tilespmem:s25+$0x14860];
	s24 =	sshll.u32 s24, $0x7;
	v8 =	vadd.f32 v8, v10;
	v2 =	vadd.f32 v15, v2;
	v6 =	vmul.f32 $4.999999890e-03, v6  }
0x94: {  	s24 =	sand.u32 $0x3FFFFF80, s24;
	v3 =	vadd.f32 v5, v3;
	v60 =	vadd.f32 v16, v7;
	v4 =	vmul.f32 $4.999999890e-03, v4  }
0x95: {  	v61 =	vadd.f32 v17, v8;
	v2 =	vmul.f32 $4.999999890e-03, v2;
	[tilespmem:s24+$0x1AC00] =	vst v6  }
0x96: {  	s23 =	sadd.s32 $0x1, s23;
	v1 =	vadd.f32 v9, v1;
	v3 =	vadd.f32 v57, v3;
	v62 =	vmul.f32 $4.999999890e-03, v60;
	[tilespmem:s24+$0x1AC10] =	vst v4  }
0x97: {  	p0 =	sne.s32 s23, $0x2A;
	v0 =	vadd.f32 v59, v0;
	v63 =	vmul.f32 $4.999999890e-03, v61;
	[tilespmem:s24+$0x1AC20] =	vst v2  }
.Ltmp3:
0x98: {  	v1 =	vadd.f32 v58, v1;
	v3 =	vmul.f32 $4.999999890e-03, v3;
	[tilespmem:s24+$0x1AC30] =	vst v62;
	(pc) =	sbr.rel @p0 .LBB2_2-.Ltmp3, $4  }
0x99: {  	v0 =	vmul.f32 $4.999999890e-03, v0;
	[tilespmem:s24+$0x1AC40] =	vst v63  }
0x9a: {  	v1 =	vmul.f32 $4.999999890e-03, v1;
	[tilespmem:s24+$0x1AC50] =	vst v3  }
0x9b: {  	[tilespmem:s24+$0x1AC70] =	vst v0  }
0x9c: {  	[tilespmem:s24+$0x1AC60] =	vst v1  }
0x9d: {  	_ =	swait.ge [sflag:s18], $0x4000  }
0x9e: {  	[sflag:s18] =	ssyncset.done $0x0  }
0x9f: {  	[sflag:s18] =	ssyncadd.s32 $0xFFFFC000  }
0xa0: {  	_ =	swait.ge [sflag:s18], $0x2400  }
0xa1: {  	[sflag:s18] =	ssyncset.done $0x0  }
0xa2: {  	s25 =	simm.s32 $0x0;
	[sflag:s18] =	ssyncadd.s32 $0xFFFFDC00  }
0xa3: {  	v0 =	vld [tilespmem:s25+$0x8070]  }
0xa4: {  	v2 =	vld [tilespmem:s25+$0x8000]  }
0xa5: {  	v3 =	vld [tilespmem:s25+$0x8010]  }
0xa6: {  	v12 =	vld [tilespmem:s25+$0x8020]  }
0xa7: {  	v10 =	vld [tilespmem:s25+$0x8030]  }
0xa8: {  	v1 =	vimm.f32 $0.0e+00;
	v6 =	vimm.f32 $0.0e+00;
	v7 =	vld [tilespmem:s25+$0x8040]  }
0xa9: {  	v9 =	vimm.f32 $0.0e+00;
	v8 =	vld [tilespmem:s25+$0x8050];
	v0 =	vadd.f32 v0, v1;
	v5 =	vadd.f32 v2, v1  }
0xaa: {  	s23 =	simm.s32 $0x80;
	s24 =	simm.s32 $0x400;
	v11 =	vld [tilespmem:s25+$0x8060];
	v4 =	vadd.f32 v3, v1;
	v3 =	vimm.f32 $0.0e+00;
	v2 =	vimm.f32 $0.0e+00  }
.LBB2_10:
0xab: {  	p0 =	sne.s32 s24, $0x18E00;
	v13 =	vld [tilespmem:s23+$0x8070];
	v1 =	vadd.f32 v12, v1  }
0xac: {  	v14 =	vld [tilespmem:s23+$0x8000];
	v6 =	vadd.f32 v10, v6  }
0xad: {  	v15 =	vld [tilespmem:s23+$0x8010];
	v9 =	vadd.f32 v7, v9  }
.Ltmp4:
0xae: {  	v12 =	vld [tilespmem:s23+$0x8020];
	v3 =	vadd.f32 v8, v3;
	(pc) =	sbr.rel @p0 .LBB2_10-.Ltmp4, $4  }
0xaf: {  	v10 =	vld [tilespmem:s23+$0x8030];
	v2 =	vadd.f32 v11, v2  }
0xb0: {  	v7 =	vld [tilespmem:s23+$0x8040];
	v0 =	vadd.f32 v13, v0  }
0xb1: {  	v5 =	vadd.f32 v14, v5;
	v8 =	vld [tilespmem:s23+$0x8050]  }
0xb2: {  	v4 =	vadd.f32 v15, v4;
	v11 =	vld [tilespmem:s23+$0x8060];
	s23 =	sshra.s32 s24, $0x2;
	s24 =	sadd.s32 $0x200, s24  }
0xb3: {  	v13 =	vld [tilespmem:s23+$0x8000]  }
0xb4: {  	v14 =	vld [tilespmem:s23+$0x8010]  }
0xb5: {  	v15 =	vld [tilespmem:s23+$0x8020]  }
0xb6: {  	v1 =	vadd.f32 v12, v1;
	v12 =	vld [tilespmem:s23+$0x8050]  }
0xb7: {  	v16 =	vld [tilespmem:s23+$0x8030]  }
0xb8: {  	v17 =	vld [tilespmem:s23+$0x8040];
	v7 =	vadd.f32 v7, v9;
	v5 =	vadd.f32 v13, v5  }
0xb9: {  	v9 =	vld [tilespmem:s23+$0x8070];
	v3 =	vadd.f32 v8, v3;
	v4 =	vadd.f32 v14, v4  }
0xba: {  	v6 =	vadd.f32 v10, v6;
	v10 =	vld [tilespmem:s23+$0x8060];
	v1 =	vadd.f32 v15, v1;
	v5 =	vmul.f32 $4.999999890e-03, v5  }
0xbb: {  	v3 =	vadd.f32 v12, v3;
	v4 =	vmul.f32 $4.999999890e-03, v4  }
0xbc: {  	v6 =	vadd.f32 v16, v6;
	v1 =	vmul.f32 $4.999999890e-03, v1;
	[tilespmem:$0x1EB00] =	vst v5  }
0xbd: {  	v2 =	vadd.f32 v11, v2;
	v7 =	vadd.f32 v17, v7;
	v3 =	vmul.f32 $4.999999890e-03, v3;
	[tilespmem:$0x1EB10] =	vst v4  }
0xbe: {  	v0 =	vadd.f32 v9, v0;
	v4 =	vmul.f32 $4.999999890e-03, v6;
	[tilespmem:$0x1EB20] =	vst v1  }
0xbf: {  	v2 =	vadd.f32 v10, v2;
	v1 =	vmul.f32 $4.999999890e-03, v7;
	[tilespmem:$0x1EB50] =	vst v3  }
0xc0: {  	v0 =	vmul.f32 $4.999999890e-03, v0;
	[tilespmem:$0x1EB30] =	vst v4  }
0xc1: {  	[tilespmem:$0x1EB40] =	vst v1;
	v1 =	vmul.f32 $4.999999890e-03, v2  }
0xc2: {  	[tilespmem:$0x1EB70] =	vst v0  }
0xc3: {  	[tilespmem:$0x1EB60] =	vst v1  }
0xc4: {  	_ =	swait.ge [sflag:s19], $0x4000  }
0xc5: {  	[sflag:s19] =	ssyncset.done $0x0  }
0xc6: {  	[sflag:s19] =	ssyncadd.s32 $0xFFFFC000  }
0xc7: {  	_ =	swait.ge [sflag:s19], $0x2400  }
0xc8: {  	[sflag:s19] =	ssyncset.done $0x0  }
0xc9: {  	s25 =	simm.s32 $0x0;
	[sflag:s19] =	ssyncadd.s32 $0xFFFFDC00  }
0xca: {  	v0 =	vld [tilespmem:s25+$0xE470]  }
0xcb: {  	v2 =	vld [tilespmem:s25+$0xE400]  }
0xcc: {  	v3 =	vld [tilespmem:s25+$0xE410]  }
0xcd: {  	v12 =	vld [tilespmem:s25+$0xE420]  }
0xce: {  	v10 =	vld [tilespmem:s25+$0xE430]  }
0xcf: {  	v9 =	vimm.f32 $0.0e+00;
	v1 =	vimm.f32 $0.0e+00;
	v7 =	vld [tilespmem:s25+$0xE440]  }
0xd0: {  	v6 =	vimm.f32 $0.0e+00;
	v8 =	vld [tilespmem:s25+$0xE450];
	v0 =	vadd.f32 v0, v1;
	v5 =	vadd.f32 v2, v1  }
0xd1: {  	s24 =	simm.s32 $0x400;
	s23 =	simm.s32 $0x80;
	v11 =	vld [tilespmem:s25+$0xE460];
	v4 =	vadd.f32 v3, v1;
	v3 =	vimm.f32 $0.0e+00;
	v2 =	vimm.f32 $0.0e+00  }
.LBB2_12:
0xd2: {  	p0 =	sne.s32 s24, $0x18E00;
	v13 =	vld [tilespmem:s23+$0xE470];
	v1 =	vadd.f32 v12, v1  }
0xd3: {  	v14 =	vld [tilespmem:s23+$0xE400];
	v6 =	vadd.f32 v10, v6  }
0xd4: {  	v15 =	vld [tilespmem:s23+$0xE410];
	v9 =	vadd.f32 v7, v9  }
.Ltmp5:
0xd5: {  	v12 =	vld [tilespmem:s23+$0xE420];
	v3 =	vadd.f32 v8, v3;
	(pc) =	sbr.rel @p0 .LBB2_12-.Ltmp5, $4  }
0xd6: {  	v10 =	vld [tilespmem:s23+$0xE430];
	v2 =	vadd.f32 v11, v2  }
0xd7: {  	v7 =	vld [tilespmem:s23+$0xE440];
	v0 =	vadd.f32 v13, v0  }
0xd8: {  	v5 =	vadd.f32 v14, v5;
	v8 =	vld [tilespmem:s23+$0xE450]  }
0xd9: {  	v4 =	vadd.f32 v15, v4;
	v11 =	vld [tilespmem:s23+$0xE460];
	s23 =	sshra.s32 s24, $0x2;
	s24 =	sadd.s32 $0x200, s24  }
0xda: {  	v13 =	vld [tilespmem:s23+$0xE400]  }
0xdb: {  	v14 =	vld [tilespmem:s23+$0xE410]  }
0xdc: {  	v15 =	vld [tilespmem:s23+$0xE420]  }
0xdd: {  	v16 =	vld [tilespmem:s23+$0xE430]  }
0xde: {  	v17 =	vld [tilespmem:s23+$0xE440]  }
0xdf: {  	v1 =	vadd.f32 v12, v1;
	v58 =	vld [tilespmem:s23+$0xE450];
	v5 =	vadd.f32 v13, v5  }
0xe0: {  	v60 =	vld [tilespmem:s23+$0xE470];
	v6 =	vadd.f32 v10, v6;
	v4 =	vadd.f32 v14, v4  }
0xe1: {  	v59 =	vld [tilespmem:s23+$0xE460];
	v7 =	vadd.f32 v7, v9;
	v1 =	vadd.f32 v15, v1;
	v5 =	vmul.f32 $4.999999890e-03, v5  }
0xe2: {  	v3 =	vadd.f32 v8, v3;
	v6 =	vadd.f32 v16, v6;
	v4 =	vmul.f32 $4.999999890e-03, v4  }
0xe3: {  	v7 =	vadd.f32 v17, v7;
	v1 =	vmul.f32 $4.999999890e-03, v1;
	[tilespmem:$0x1EB80] =	vst v5  }
0xe4: {  	v2 =	vadd.f32 v11, v2;
	v3 =	vadd.f32 v58, v3;
	v61 =	vmul.f32 $4.999999890e-03, v6;
	[tilespmem:$0x1EB90] =	vst v4  }
0xe5: {  	v0 =	vadd.f32 v60, v0;
	v62 =	vmul.f32 $4.999999890e-03, v7;
	[tilespmem:$0x1EBA0] =	vst v1  }
0xe6: {  	v2 =	vadd.f32 v59, v2;
	v3 =	vmul.f32 $4.999999890e-03, v3;
	[tilespmem:$0x1EBB0] =	vst v61  }
0xe7: {  	v0 =	vmul.f32 $4.999999890e-03, v0;
	[tilespmem:$0x1EBC0] =	vst v62  }
0xe8: {  	s22 =	sadd.s32 $0x1, s22;
	v63 =	vmul.f32 $4.999999890e-03, v2;
	[tilespmem:$0x1EBD0] =	vst v3  }
0xe9: {  	p0 =	sne.s32 s22, s6;
	[tilespmem:$0x1EBF0] =	vst v0  }
.Ltmp6:
0xea: {  	[tilespmem:$0x1EBE0] =	vst v63;
	(pc) =	sbr.rel @p0 .LBB2_1-.Ltmp6, $4  }
0xeb: {  	[hbm4b:s5+s3] =	stream.linear.scatter [tilespmem:s21], [sflag:$0x4], $0x4000, $0x38;
	[tilespmem:$0x1EC00] =	vst v63  }
0xec: {  	_ =	swait.ge [sflag:s7], $0x4000  }
0xed: {  	[sflag:s7] =	ssyncset.done $0x0  }
0xee: {  	[sflag:s7] =	ssyncadd.s32 $0xFFFFC000  }
0xef: {  	_ =	sfence.sel $0x180000  }
0xf0: {  	[bflag:$0x0] =	sbarrier.arrive $0xFFFF  }
0xf1: {  	p0 =	sne.s32 s2, $0x0;
	_ =	strace $0x90000047  }
0xf2: {  	s0 =	sadd.s32 @!p0 $0x100000, s0;
	[bflag:$0x2] =	sbarrier.arrive $0xFFFF  }
0xf3: {  	[sflag:s0] =	ssyncadd.tile.s32 @!p0 $0x1;
	_ =	shalt  }
.Lfunc_end2:
_tile_overlayer_lowered:
.L_overlay_start_2:
0xf4: {  	(tag) =	ssettag $0x2  }
0xf5: {  	s0 =	rddreg [dreg:$0x0];
	s2 =	stileid.u32  }
0xf6: {  	s1 =	rddreg [dreg:$0x1];
	p0 =	sne.s32 s2, $0x0  }
0xf7: {  	s3 =	rddreg [dreg:$0x2];
	[bflag:$0x3] =	sbarrier.arrive $0xFFFF;
	s2 =	simm.s32 @!p0 $0x1C04  }
0xf8: {  	[timem:s3], [sflag:s2] =	dma.local @!p0 [hbm:s0], s1  }
0xf9: {  	s0 =	simm.s32 @!p0 $0x4  }
0xfa: {  	_ =	swait.ge @!p0 [sflag:s0], s1  }
0xfb: {  	s1 =	ssub.s32 @!p0 $0x0, s1;
	[sflag:s0] =	ssyncset.done @!p0 $0x0  }
0xfc: {  	[sflag:s0] =	ssyncadd.s32 @!p0 s1  }
0xfd: {  	[bflag:$0x3] =	sbarrier.arrive $0xFFFF  }
0xfe: {  	_ =	shalt  }

</sc_bundles>
